<compile_context>
chip_gen: v7x
topology: tpu7x:2x2x1
jax: 0.10.2.dev20260603
libtpu: 0.0.44.dev20260713+nightly
codegen_flags: <defaults>
</compile_context>

<pallas_src>
import jax
import jax.numpy as jnp
from jax import lax
from jax.experimental import pallas as pl
from jax.experimental.pallas import tpu as pltpu
from jax.experimental.pallas import tpu_sc as plsc

N = 10000
E = 320000
H = 8
VD = 128
HD = VD // H

ROWS = E // 128
NWORKERS = 32
NPAD = 10240
ROWS_PER_SUB = NPAD // 16
EPS = 1e-16


_B1 = 2560


def _stage1_body(pf_ref, v_ref, wv_ref):
    wv_ref[...] = v_ref[...] * pf_ref[...]


def _stage1(pfull, value):
    grid = (E // _B1,)
    return pl.pallas_call(
        _stage1_body,
        grid=grid,
        in_specs=[
            pl.BlockSpec((_B1, VD), lambda i: (i, 0)),
            pl.BlockSpec((_B1, VD), lambda i: (i, 0)),
        ],
        out_specs=pl.BlockSpec((_B1, VD), lambda i: (i, 0)),
        out_shape=jax.ShapeDtypeStruct((E, VD), jnp.float32),
    )(pfull, value)



_sc_mesh = plsc.VectorSubcoreMesh(core_axis_name="c", subcore_axis_name="s")


_NSTEPS = -(-ROWS // NWORKERS)
_NSTEPS2 = _NSTEPS + (_NSTEPS % 2)


def _num_body(wv_hbm, dst_hbm, z_hbm, acc_hbm,
              buf0, buf1, idx0, idx1, bsem0, bsem1, isem0, isem1, acc_sh):
    cid = lax.axis_index("c")
    sid = lax.axis_index("s")
    wid = cid * 16 + sid
    bufs = ((buf0, idx0, bsem0, isem0), (buf1, idx1, bsem1, isem1))

    row0 = sid * ROWS_PER_SUB
    pltpu.sync_copy(z_hbm, buf0)
    for t in range(ROWS_PER_SUB // 128):
        pltpu.sync_copy(buf0, acc_sh.at[pl.ds(row0 + t * 128, 128)])

    for b, (buf, idx, bsem, isem) in enumerate(bufs):
        e = (wid + b * NWORKERS) * 128
        pltpu.async_copy(dst_hbm.at[pl.ds(e, 128)], idx, isem)
        pltpu.async_copy(wv_hbm.at[pl.ds(e, 128)], buf, bsem)

    plsc.subcore_barrier()

    @pl.loop(0, _NSTEPS2, step=2)
    def _(n):
        for b, (buf, idx, bsem, isem) in enumerate(bufs):
            c = wid + (n + b) * NWORKERS

            @pl.when(c < ROWS)
            def _():
                pltpu.make_async_copy(
                    dst_hbm.at[pl.ds(0, 128)], idx, isem).wait()
                pltpu.make_async_copy(
                    wv_hbm.at[pl.ds(0, 128)], buf, bsem).wait()
                pltpu.sync_copy(buf, acc_sh.at[idx], add=True)
                cn = c + 2 * NWORKERS

                @pl.when(cn < ROWS)
                def _():
                    e2 = cn * 128
                    pltpu.async_copy(dst_hbm.at[pl.ds(e2, 128)], idx, isem)
                    pltpu.async_copy(wv_hbm.at[pl.ds(e2, 128)], buf, bsem)

    plsc.subcore_barrier()

    for t in range(ROWS_PER_SUB // 128):
        r = row0 + t * 128
        pltpu.sync_copy(acc_sh.at[pl.ds(r, 128)], buf0)
        pltpu.sync_copy(buf0, acc_hbm.at[cid, pl.ds(r, 128)])


def _scatter_pass(data, dst_rows, z):
    kern = pl.kernel(
        _num_body,
        out_type=jax.ShapeDtypeStruct((2, NPAD, VD), jnp.float32),
        mesh=_sc_mesh,
        scratch_types=[
            pltpu.VMEM((128, VD), jnp.float32),
            pltpu.VMEM((128, VD), jnp.float32),
            pltpu.VMEM((128,), jnp.int32),
            pltpu.VMEM((128,), jnp.int32),
            pltpu.SemaphoreType.DMA,
            pltpu.SemaphoreType.DMA,
            pltpu.SemaphoreType.DMA,
            pltpu.SemaphoreType.DMA,
            pltpu.VMEM_SHARED((NPAD, VD), jnp.float32),
        ],
    )
    return kern(data, dst_rows, z)



_B3 = 2000


def _stage4_body(num_ref, den_ref, out_ref):
    nm = num_ref[0] + num_ref[1]
    dn = den_ref[0] + den_ref[1]
    out_ref[...] = nm / (dn + EPS)


def _stage4(num, den):
    grid = (N // _B3,)
    return pl.pallas_call(
        _stage4_body,
        grid=grid,
        in_specs=[
            pl.BlockSpec((2, _B3, VD), lambda i: (0, i, 0)),
            pl.BlockSpec((2, _B3, VD), lambda i: (0, i, 0)),
        ],
        out_specs=pl.BlockSpec((_B3, VD), lambda i: (i, 0)),
        out_shape=jax.ShapeDtypeStruct((N, VD), jnp.float32),
    )(num, den)




@jax.jit
def kernel(value, edge_weights, edge_weights_cutoff, edge_index):
    dst = edge_index[1].astype(jnp.int32)
    p = jnp.exp(edge_weights_cutoff[:, None] * edge_weights)
    pfull = jnp.reshape(
        jnp.broadcast_to(p[:, :, None], (E, H, HD)), (E, VD))
    wv = _stage1(pfull, value)
    z = jnp.zeros((128, VD), jnp.float32)
    num = _scatter_pass(wv, dst, z)
    den = _scatter_pass(pfull, dst, z)
    return _stage4(num, den)

# --- scband reference (transcript-rebuilt; emitter-appended) ---
"""Pipeline reference for scband-attention-aggregation-v2-63806034149756 (READ-ONLY COPY).

The authoritative reference and input builder live on the scoring server;
editing this copy changes nothing except your own understanding.
"""

import jax, jax.numpy as jnp
import numpy as np

N_NODES = 10000
N_EDGES = 320000
NUM_HEADS = 8
VALUE_DIM = 128  # 128x0e irreps -> 128 scalar channels
HEAD_DIM = VALUE_DIM // NUM_HEADS


def setup_inputs(seed: int = 0) -> dict:
    key = jax.random.key(seed)
    k1, k2, k3, k4 = jax.random.split(key, 4)
    value = jax.random.normal(k1, (N_EDGES, VALUE_DIM), dtype=jnp.float32)
    edge_weights = jax.random.normal(k2, (N_EDGES, NUM_HEADS), dtype=jnp.float32)
    edge_weights_cutoff = jax.random.uniform(k3, (N_EDGES,), dtype=jnp.float32)
    edge_index = jax.random.randint(k4, (2, N_EDGES), 0, N_NODES)
    return {
        "value": value,
        "edge_weights": edge_weights,
        "edge_weights_cutoff": edge_weights_cutoff,
        "edge_index": edge_index,
    }


def _edge_softmax(w, dst, num_segments):
    # numerically-stable softmax over edges grouped by destination node
    m = jax.ops.segment_max(w, dst, num_segments=num_segments)
    m = jnp.where(jnp.isfinite(m), m, 0.0)  # nodes with no incoming edges
    w = jnp.exp(w - m[dst])
    denom = jax.ops.segment_sum(w, dst, num_segments=num_segments)
    return w / (denom[dst] + 1e-16)


def reference(value, edge_weights, edge_weights_cutoff, edge_index):
    # unfuse_value: [E, VALUE_DIM] -> [E, H, VALUE_DIM // H]
    v = value.reshape(N_EDGES, NUM_HEADS, HEAD_DIM)
    dst = edge_index[1]
    # apply cutoff weights
    w = edge_weights_cutoff[:, None] * edge_weights  # [E, H]
    # edge softmax over incoming edges of each dst node
    w = _edge_softmax(w, dst, N_NODES)  # [E, H]
    # weighted scatter-add aggregation over edges -> nodes
    f_out = jax.ops.segment_sum(w[:, :, None] * v, dst, num_segments=N_NODES)  # [N, H, HEAD_DIM]
    # fuse_value: [N, H, HEAD_DIM] -> [N, VALUE_DIM]
    return f_out.reshape(N_NODES, VALUE_DIM)

if __name__ == "__main__":
    import jax
    _d = setup_inputs()
    print(jax.jit(kernel)(*tuple(_d.values())))

</pallas_src>

<mosaic_0001>
#map = affine_map<(d0, d1) -> (0, 0)>
#map1 = affine_map<(d0, d1) -> (0)>
#map2 = affine_map<(d0, d1) -> (0, 0, 0)>
module attributes {stable_mosaic.version = 14 : i64} {
  func.func @_num_body(%arg0: i32, %arg1: i32, %arg2: memref<320000x128xf32, #tpu.memory_space<hbm>>, %arg3: memref<320000xi32, #tpu.memory_space<hbm>>, %arg4: memref<128x128xf32, #tpu.memory_space<hbm>>, %arg5: memref<2x10240x128xf32, #tpu.memory_space<hbm>>, %arg6: memref<128x128xf32, #tpu.memory_space<vmem>>, %arg7: memref<128x128xf32, #tpu.memory_space<vmem>>, %arg8: memref<128xi32, #tpu.memory_space<vmem>>, %arg9: memref<128xi32, #tpu.memory_space<vmem>>, %arg10: memref<!tpu.dma_semaphore, #tpu.memory_space<semaphore_mem>>, %arg11: memref<!tpu.dma_semaphore, #tpu.memory_space<semaphore_mem>>, %arg12: memref<!tpu.dma_semaphore, #tpu.memory_space<semaphore_mem>>, %arg13: memref<!tpu.dma_semaphore, #tpu.memory_space<semaphore_mem>>, %arg14: memref<10240x128xf32, #tpu.memory_space<vmem_shared>>) attributes {dimension_semantics = [#tpu.dimension_semantics<core_parallel>, #tpu.dimension_semantics<subcore_parallel>], iteration_bounds = array<i64: 2, 16>, scalar_prefetch = 0 : i64, scratch_operands = 9 : i64, tpu.core_type = #tpu.core_type<sc_vector_subcore>, window_params = [{transform_indices = #map}, {transform_indices = #map1}, {transform_indices = #map}, {transform_indices = #map2}]} {
    %mul3A = arith.constant 16 : i32
    %mul3A_0 = arith.muli %arg0, %mul3A : i32
    %add3A = arith.addi %mul3A_0, %arg1 : i32
    %mul3A_1 = arith.constant 640 : i32
    %mul3A_2 = arith.muli %arg1, %mul3A_1 : i32
    "tpu.region"() ({
      %run_scoped3A = tpu.sem_alloc : memref<!tpu.dma_semaphore, #tpu.memory_space<semaphore_mem>>
      tpu.enqueue_dma source(%arg4 : memref<128x128xf32, #tpu.memory_space<hbm>>) target(%arg6 : memref<128x128xf32, #tpu.memory_space<vmem>>) target_semaphore(%run_scoped3A : memref<!tpu.dma_semaphore, #tpu.memory_space<semaphore_mem>>)
      tpu.wait_dma2 semaphore(%run_scoped3A : memref<!tpu.dma_semaphore, #tpu.memory_space<semaphore_mem>>) src(%arg4 : memref<128x128xf32, #tpu.memory_space<hbm>>) dst(%arg6 : memref<128x128xf32, #tpu.memory_space<vmem>>)
      tpu.yield
    }) : () -> ()
    %add3A_3 = arith.constant 0 : i32
    %add3A_4 = arith.addi %mul3A_2, %add3A_3 : i32
    "tpu.region"() ({
      %run_scoped3A = tpu.sem_alloc : memref<!tpu.dma_semaphore, #tpu.memory_space<semaphore_mem>>
      %dma_start3A_47 = arith.constant 0 : i32
      %dma_start3A_48 = tpu.memref_slice %arg14[%add3A_4, %dma_start3A_47] : memref<10240x128xf32, #tpu.memory_space<vmem_shared>> -> memref<128x128xf32, #tpu.memory_space<vmem_shared>>
      %dma_start3A_49 = arith.constant 0 : i32
      %dma_start3A_50 = tpu.memref_slice %arg14[%add3A_4, %dma_start3A_49] : memref<10240x128xf32, #tpu.memory_space<vmem_shared>> -> memref<128x128xf32, #tpu.memory_space<vmem_shared>>
      tpu.enqueue_dma source(%arg6 : memref<128x128xf32, #tpu.memory_space<vmem>>) target(%dma_start3A_50 : memref<128x128xf32, #tpu.memory_space<vmem_shared>>) target_semaphore(%run_scoped3A : memref<!tpu.dma_semaphore, #tpu.memory_space<semaphore_mem>>)
      %dma_wait3A = arith.constant 0 : i32
      %dma_wait3A_51 = tpu.memref_slice %arg14[%add3A_4, %dma_wait3A] : memref<10240x128xf32, #tpu.memory_space<vmem_shared>> -> memref<128x128xf32, #tpu.memory_space<vmem_shared>>
      %dma_wait3A_52 = arith.constant 0 : i32
      %dma_wait3A_53 = tpu.memref_slice %arg14[%add3A_4, %dma_wait3A_52] : memref<10240x128xf32, #tpu.memory_space<vmem_shared>> -> memref<128x128xf32, #tpu.memory_space<vmem_shared>>
      tpu.wait_dma2 semaphore(%run_scoped3A : memref<!tpu.dma_semaphore, #tpu.memory_space<semaphore_mem>>) src(%arg6 : memref<128x128xf32, #tpu.memory_space<vmem>>) dst(%dma_wait3A_53 : memref<128x128xf32, #tpu.memory_space<vmem_shared>>)
      tpu.yield
    }) : () -> ()
    %add3A_5 = arith.constant 128 : i32
    %add3A_6 = arith.addi %mul3A_2, %add3A_5 : i32
    "tpu.region"() ({
      %run_scoped3A = tpu.sem_alloc : memref<!tpu.dma_semaphore, #tpu.memory_space<semaphore_mem>>
      %dma_start3A_47 = arith.constant 0 : i32
      %dma_start3A_48 = tpu.memref_slice %arg14[%add3A_6, %dma_start3A_47] : memref<10240x128xf32, #tpu.memory_space<vmem_shared>> -> memref<128x128xf32, #tpu.memory_space<vmem_shared>>
      %dma_start3A_49 = arith.constant 0 : i32
      %dma_start3A_50 = tpu.memref_slice %arg14[%add3A_6, %dma_start3A_49] : memref<10240x128xf32, #tpu.memory_space<vmem_shared>> -> memref<128x128xf32, #tpu.memory_space<vmem_shared>>
      tpu.enqueue_dma source(%arg6 : memref<128x128xf32, #tpu.memory_space<vmem>>) target(%dma_start3A_50 : memref<128x128xf32, #tpu.memory_space<vmem_shared>>) target_semaphore(%run_scoped3A : memref<!tpu.dma_semaphore, #tpu.memory_space<semaphore_mem>>)
      %dma_wait3A = arith.constant 0 : i32
      %dma_wait3A_51 = tpu.memref_slice %arg14[%add3A_6, %dma_wait3A] : memref<10240x128xf32, #tpu.memory_space<vmem_shared>> -> memref<128x128xf32, #tpu.memory_space<vmem_shared>>
      %dma_wait3A_52 = arith.constant 0 : i32
      %dma_wait3A_53 = tpu.memref_slice %arg14[%add3A_6, %dma_wait3A_52] : memref<10240x128xf32, #tpu.memory_space<vmem_shared>> -> memref<128x128xf32, #tpu.memory_space<vmem_shared>>
      tpu.wait_dma2 semaphore(%run_scoped3A : memref<!tpu.dma_semaphore, #tpu.memory_space<semaphore_mem>>) src(%arg6 : memref<128x128xf32, #tpu.memory_space<vmem>>) dst(%dma_wait3A_53 : memref<128x128xf32, #tpu.memory_space<vmem_shared>>)
      tpu.yield
    }) : () -> ()
    %add3A_7 = arith.constant 256 : i32
    %add3A_8 = arith.addi %mul3A_2, %add3A_7 : i32
    "tpu.region"() ({
      %run_scoped3A = tpu.sem_alloc : memref<!tpu.dma_semaphore, #tpu.memory_space<semaphore_mem>>
      %dma_start3A_47 = arith.constant 0 : i32
      %dma_start3A_48 = tpu.memref_slice %arg14[%add3A_8, %dma_start3A_47] : memref<10240x128xf32, #tpu.memory_space<vmem_shared>> -> memref<128x128xf32, #tpu.memory_space<vmem_shared>>
      %dma_start3A_49 = arith.constant 0 : i32
      %dma_start3A_50 = tpu.memref_slice %arg14[%add3A_8, %dma_start3A_49] : memref<10240x128xf32, #tpu.memory_space<vmem_shared>> -> memref<128x128xf32, #tpu.memory_space<vmem_shared>>
      tpu.enqueue_dma source(%arg6 : memref<128x128xf32, #tpu.memory_space<vmem>>) target(%dma_start3A_50 : memref<128x128xf32, #tpu.memory_space<vmem_shared>>) target_semaphore(%run_scoped3A : memref<!tpu.dma_semaphore, #tpu.memory_space<semaphore_mem>>)
      %dma_wait3A = arith.constant 0 : i32
      %dma_wait3A_51 = tpu.memref_slice %arg14[%add3A_8, %dma_wait3A] : memref<10240x128xf32, #tpu.memory_space<vmem_shared>> -> memref<128x128xf32, #tpu.memory_space<vmem_shared>>
      %dma_wait3A_52 = arith.constant 0 : i32
      %dma_wait3A_53 = tpu.memref_slice %arg14[%add3A_8, %dma_wait3A_52] : memref<10240x128xf32, #tpu.memory_space<vmem_shared>> -> memref<128x128xf32, #tpu.memory_space<vmem_shared>>
      tpu.wait_dma2 semaphore(%run_scoped3A : memref<!tpu.dma_semaphore, #tpu.memory_space<semaphore_mem>>) src(%arg6 : memref<128x128xf32, #tpu.memory_space<vmem>>) dst(%dma_wait3A_53 : memref<128x128xf32, #tpu.memory_space<vmem_shared>>)
      tpu.yield
    }) : () -> ()
    %add3A_9 = arith.constant 384 : i32
    %add3A_10 = arith.addi %mul3A_2, %add3A_9 : i32
    "tpu.region"() ({
      %run_scoped3A = tpu.sem_alloc : memref<!tpu.dma_semaphore, #tpu.memory_space<semaphore_mem>>
      %dma_start3A_47 = arith.constant 0 : i32
      %dma_start3A_48 = tpu.memref_slice %arg14[%add3A_10, %dma_start3A_47] : memref<10240x128xf32, #tpu.memory_space<vmem_shared>> -> memref<128x128xf32, #tpu.memory_space<vmem_shared>>
      %dma_start3A_49 = arith.constant 0 : i32
      %dma_start3A_50 = tpu.memref_slice %arg14[%add3A_10, %dma_start3A_49] : memref<10240x128xf32, #tpu.memory_space<vmem_shared>> -> memref<128x128xf32, #tpu.memory_space<vmem_shared>>
      tpu.enqueue_dma source(%arg6 : memref<128x128xf32, #tpu.memory_space<vmem>>) target(%dma_start3A_50 : memref<128x128xf32, #tpu.memory_space<vmem_shared>>) target_semaphore(%run_scoped3A : memref<!tpu.dma_semaphore, #tpu.memory_space<semaphore_mem>>)
      %dma_wait3A = arith.constant 0 : i32
      %dma_wait3A_51 = tpu.memref_slice %arg14[%add3A_10, %dma_wait3A] : memref<10240x128xf32, #tpu.memory_space<vmem_shared>> -> memref<128x128xf32, #tpu.memory_space<vmem_shared>>
      %dma_wait3A_52 = arith.constant 0 : i32
      %dma_wait3A_53 = tpu.memref_slice %arg14[%add3A_10, %dma_wait3A_52] : memref<10240x128xf32, #tpu.memory_space<vmem_shared>> -> memref<128x128xf32, #tpu.memory_space<vmem_shared>>
      tpu.wait_dma2 semaphore(%run_scoped3A : memref<!tpu.dma_semaphore, #tpu.memory_space<semaphore_mem>>) src(%arg6 : memref<128x128xf32, #tpu.memory_space<vmem>>) dst(%dma_wait3A_53 : memref<128x128xf32, #tpu.memory_space<vmem_shared>>)
      tpu.yield
    }) : () -> ()
    %add3A_11 = arith.constant 512 : i32
    %add3A_12 = arith.addi %mul3A_2, %add3A_11 : i32
    "tpu.region"() ({
      %run_scoped3A = tpu.sem_alloc : memref<!tpu.dma_semaphore, #tpu.memory_space<semaphore_mem>>
      %dma_start3A_47 = arith.constant 0 : i32
      %dma_start3A_48 = tpu.memref_slice %arg14[%add3A_12, %dma_start3A_47] : memref<10240x128xf32, #tpu.memory_space<vmem_shared>> -> memref<128x128xf32, #tpu.memory_space<vmem_shared>>
      %dma_start3A_49 = arith.constant 0 : i32
      %dma_start3A_50 = tpu.memref_slice %arg14[%add3A_12, %dma_start3A_49] : memref<10240x128xf32, #tpu.memory_space<vmem_shared>> -> memref<128x128xf32, #tpu.memory_space<vmem_shared>>
      tpu.enqueue_dma source(%arg6 : memref<128x128xf32, #tpu.memory_space<vmem>>) target(%dma_start3A_50 : memref<128x128xf32, #tpu.memory_space<vmem_shared>>) target_semaphore(%run_scoped3A : memref<!tpu.dma_semaphore, #tpu.memory_space<semaphore_mem>>)
      %dma_wait3A = arith.constant 0 : i32
      %dma_wait3A_51 = tpu.memref_slice %arg14[%add3A_12, %dma_wait3A] : memref<10240x128xf32, #tpu.memory_space<vmem_shared>> -> memref<128x128xf32, #tpu.memory_space<vmem_shared>>
      %dma_wait3A_52 = arith.constant 0 : i32
      %dma_wait3A_53 = tpu.memref_slice %arg14[%add3A_12, %dma_wait3A_52] : memref<10240x128xf32, #tpu.memory_space<vmem_shared>> -> memref<128x128xf32, #tpu.memory_space<vmem_shared>>
      tpu.wait_dma2 semaphore(%run_scoped3A : memref<!tpu.dma_semaphore, #tpu.memory_space<semaphore_mem>>) src(%arg6 : memref<128x128xf32, #tpu.memory_space<vmem>>) dst(%dma_wait3A_53 : memref<128x128xf32, #tpu.memory_space<vmem_shared>>)
      tpu.yield
    }) : () -> ()
    %add3A_13 = arith.constant 0 : i32
    %add3A_14 = arith.addi %add3A, %add3A_13 : i32
    %mul3A_15 = arith.constant 128 : i32
    %mul3A_16 = arith.muli %add3A_14, %mul3A_15 : i32
    %dma_start3A = tpu.memref_slice %arg3[%mul3A_16] : memref<320000xi32, #tpu.memory_space<hbm>> -> memref<128xi32, #tpu.memory_space<hbm>>
    %dma_start3A_17 = tpu.memref_slice %arg3[%mul3A_16] : memref<320000xi32, #tpu.memory_space<hbm>> -> memref<128xi32, #tpu.memory_space<hbm>>
    tpu.enqueue_dma source(%dma_start3A_17 : memref<128xi32, #tpu.memory_space<hbm>>) target(%arg8 : memref<128xi32, #tpu.memory_space<vmem>>) target_semaphore(%arg12 : memref<!tpu.dma_semaphore, #tpu.memory_space<semaphore_mem>>)
    %dma_start3A_18 = arith.constant 0 : i32
    %dma_start3A_19 = tpu.memref_slice %arg2[%mul3A_16, %dma_start3A_18] : memref<320000x128xf32, #tpu.memory_space<hbm>> -> memref<128x128xf32, #tpu.memory_space<hbm>>
    %dma_start3A_20 = arith.constant 0 : i32
    %dma_start3A_21 = tpu.memref_slice %arg2[%mul3A_16, %dma_start3A_20] : memref<320000x128xf32, #tpu.memory_space<hbm>> -> memref<128x128xf32, #tpu.memory_space<hbm>>
    tpu.enqueue_dma source(%dma_start3A_21 : memref<128x128xf32, #tpu.memory_space<hbm>>) target(%arg6 : memref<128x128xf32, #tpu.memory_space<vmem>>) target_semaphore(%arg10 : memref<!tpu.dma_semaphore, #tpu.memory_space<semaphore_mem>>)
    %add3A_22 = arith.constant 32 : i32
    %add3A_23 = arith.addi %add3A, %add3A_22 : i32
    %mul3A_24 = arith.constant 128 : i32
    %mul3A_25 = arith.muli %add3A_23, %mul3A_24 : i32
    %dma_start3A_26 = tpu.memref_slice %arg3[%mul3A_25] : memref<320000xi32, #tpu.memory_space<hbm>> -> memref<128xi32, #tpu.memory_space<hbm>>
    %dma_start3A_27 = tpu.memref_slice %arg3[%mul3A_25] : memref<320000xi32, #tpu.memory_space<hbm>> -> memref<128xi32, #tpu.memory_space<hbm>>
    tpu.enqueue_dma source(%dma_start3A_27 : memref<128xi32, #tpu.memory_space<hbm>>) target(%arg9 : memref<128xi32, #tpu.memory_space<vmem>>) target_semaphore(%arg13 : memref<!tpu.dma_semaphore, #tpu.memory_space<semaphore_mem>>)
    %dma_start3A_28 = arith.constant 0 : i32
    %dma_start3A_29 = tpu.memref_slice %arg2[%mul3A_25, %dma_start3A_28] : memref<320000x128xf32, #tpu.memory_space<hbm>> -> memref<128x128xf32, #tpu.memory_space<hbm>>
    %dma_start3A_30 = arith.constant 0 : i32
    %dma_start3A_31 = tpu.memref_slice %arg2[%mul3A_25, %dma_start3A_30] : memref<320000x128xf32, #tpu.memory_space<hbm>> -> memref<128x128xf32, #tpu.memory_space<hbm>>
    tpu.enqueue_dma source(%dma_start3A_31 : memref<128x128xf32, #tpu.memory_space<hbm>>) target(%arg7 : memref<128x128xf32, #tpu.memory_space<vmem>>) target_semaphore(%arg11 : memref<!tpu.dma_semaphore, #tpu.memory_space<semaphore_mem>>)
    %barrier3A = arith.constant 0 : index
    tpu.barrier barrier_id(%barrier3A)
    %scan3A = arith.constant 0 : i32
    %scan3A_32 = arith.constant 40 : i32
    %scan3A_33 = arith.addi %scan3A, %scan3A_32 : i32
    %scan3A_34 = arith.constant 1 : i32
    scf.for %scan3A_47 = %scan3A to %scan3A_33 step %scan3A_34  : i32 {
      %mul3A_48 = arith.constant 2 : i32
      %mul3A_49 = arith.muli %scan3A_47, %mul3A_48 : i32
      %add3A_50 = arith.constant 0 : i32
      %add3A_51 = arith.addi %add3A_50, %mul3A_49 : i32
      %add3A_52 = arith.constant 0 : i32
      %add3A_53 = arith.addi %add3A_51, %add3A_52 : i32
      %mul3A_54 = arith.constant 32 : i32
      %mul3A_55 = arith.muli %add3A_53, %mul3A_54 : i32
      %add3A_56 = arith.addi %add3A, %mul3A_55 : i32
      %lt3A = arith.constant 2500 : i32
      %lt3A_57 = arith.cmpi slt, %add3A_56, %lt3A : i32
      %convert_element_type3A = arith.extui %lt3A_57 : i1 to i32
      %cond3A = arith.constant 0 : i32
      %cond3A_58 = arith.cmpi ne, %convert_element_type3A, %cond3A : i32
      scf.if %cond3A_58 {
        %dma_wait3A = arith.constant 0 : i32
        %dma_wait3A_69 = tpu.memref_slice %arg3[%dma_wait3A] : memref<320000xi32, #tpu.memory_space<hbm>> -> memref<128xi32, #tpu.memory_space<hbm>>
        %dma_wait3A_70 = arith.constant 0 : i32
        %dma_wait3A_71 = tpu.memref_slice %arg3[%dma_wait3A_70] : memref<320000xi32, #tpu.memory_space<hbm>> -> memref<128xi32, #tpu.memory_space<hbm>>
        tpu.wait_dma2 semaphore(%arg12 : memref<!tpu.dma_semaphore, #tpu.memory_space<semaphore_mem>>) src(%dma_wait3A_71 : memref<128xi32, #tpu.memory_space<hbm>>) dst(%arg8 : memref<128xi32, #tpu.memory_space<vmem>>)
        %dma_wait3A_72 = arith.constant 0 : i32
        %dma_wait3A_73 = arith.constant 0 : i32
        %dma_wait3A_74 = tpu.memref_slice %arg2[%dma_wait3A_72, %dma_wait3A_73] : memref<320000x128xf32, #tpu.memory_space<hbm>> -> memref<128x128xf32, #tpu.memory_space<hbm>>
        %dma_wait3A_75 = arith.constant 0 : i32
        %dma_wait3A_76 = arith.constant 0 : i32
        %dma_wait3A_77 = tpu.memref_slice %arg2[%dma_wait3A_75, %dma_wait3A_76] : memref<320000x128xf32, #tpu.memory_space<hbm>> -> memref<128x128xf32, #tpu.memory_space<hbm>>
        tpu.wait_dma2 semaphore(%arg10 : memref<!tpu.dma_semaphore, #tpu.memory_space<semaphore_mem>>) src(%dma_wait3A_77 : memref<128x128xf32, #tpu.memory_space<hbm>>) dst(%arg6 : memref<128x128xf32, #tpu.memory_space<vmem>>)
        "tpu.region"() ({
          %run_scoped3A = tpu.sem_alloc : memref<!tpu.dma_semaphore, #tpu.memory_space<semaphore_mem>>
          %dma_start3A_85 = arith.constant 0 : i32
          %dma_start3A_86 = arith.constant 0 : i32
          %dma_start3A_87 = tpu.memref_slice %arg14[%dma_start3A_85, %dma_start3A_86] : memref<10240x128xf32, #tpu.memory_space<vmem_shared>> -> memref<10240x128xf32, #tpu.memory_space<vmem_shared>>
          tpu.enqueue_indirect_dma source(%arg6 : memref<128x128xf32, #tpu.memory_space<vmem>>) target(%dma_start3A_87 : memref<10240x128xf32, #tpu.memory_space<vmem_shared>>) offsets(%arg8 : memref<128xi32, #tpu.memory_space<vmem>>) semaphore(%run_scoped3A : memref<!tpu.dma_semaphore, #tpu.memory_space<semaphore_mem>>) {add = true}
          %dma_wait3A_88 = arith.constant 0 : i32
          %dma_wait3A_89 = arith.constant 0 : i32
          %dma_wait3A_90 = tpu.memref_slice %arg14[%dma_wait3A_88, %dma_wait3A_89] : memref<10240x128xf32, #tpu.memory_space<vmem_shared>> -> memref<10240x128xf32, #tpu.memory_space<vmem_shared>>
          tpu.wait_indirect_dma semaphore(%run_scoped3A : memref<!tpu.dma_semaphore, #tpu.memory_space<semaphore_mem>>) src(%arg6 : memref<128x128xf32, #tpu.memory_space<vmem>>) dst(%dma_wait3A_90 : memref<10240x128xf32, #tpu.memory_space<vmem_shared>>)
          tpu.yield
        }) : () -> ()
        %add3A_78 = arith.constant 64 : i32
        %add3A_79 = arith.addi %add3A_56, %add3A_78 : i32
        %lt3A_80 = arith.constant 2500 : i32
        %lt3A_81 = arith.cmpi slt, %add3A_79, %lt3A_80 : i32
        %convert_element_type3A_82 = arith.extui %lt3A_81 : i1 to i32
        %cond3A_83 = arith.constant 0 : i32
        %cond3A_84 = arith.cmpi ne, %convert_element_type3A_82, %cond3A_83 : i32
        scf.if %cond3A_84 {
          %mul3A_85 = arith.constant 128 : i32
          %mul3A_86 = arith.muli %add3A_79, %mul3A_85 : i32
          %dma_start3A_87 = tpu.memref_slice %arg3[%mul3A_86] : memref<320000xi32, #tpu.memory_space<hbm>> -> memref<128xi32, #tpu.memory_space<hbm>>
          %dma_start3A_88 = tpu.memref_slice %arg3[%mul3A_86] : memref<320000xi32, #tpu.memory_space<hbm>> -> memref<128xi32, #tpu.memory_space<hbm>>
          tpu.enqueue_dma source(%dma_start3A_88 : memref<128xi32, #tpu.memory_space<hbm>>) target(%arg8 : memref<128xi32, #tpu.memory_space<vmem>>) target_semaphore(%arg12 : memref<!tpu.dma_semaphore, #tpu.memory_space<semaphore_mem>>)
          %dma_start3A_89 = arith.constant 0 : i32
          %dma_start3A_90 = tpu.memref_slice %arg2[%mul3A_86, %dma_start3A_89] : memref<320000x128xf32, #tpu.memory_space<hbm>> -> memref<128x128xf32, #tpu.memory_space<hbm>>
          %dma_start3A_91 = arith.constant 0 : i32
          %dma_start3A_92 = tpu.memref_slice %arg2[%mul3A_86, %dma_start3A_91] : memref<320000x128xf32, #tpu.memory_space<hbm>> -> memref<128x128xf32, #tpu.memory_space<hbm>>
          tpu.enqueue_dma source(%dma_start3A_92 : memref<128x128xf32, #tpu.memory_space<hbm>>) target(%arg6 : memref<128x128xf32, #tpu.memory_space<vmem>>) target_semaphore(%arg10 : memref<!tpu.dma_semaphore, #tpu.memory_space<semaphore_mem>>)
        } else {
        }
      } else {
      }
      %add3A_59 = arith.constant 1 : i32
      %add3A_60 = arith.addi %add3A_51, %add3A_59 : i32
      %mul3A_61 = arith.constant 32 : i32
      %mul3A_62 = arith.muli %add3A_60, %mul3A_61 : i32
      %add3A_63 = arith.addi %add3A, %mul3A_62 : i32
      %lt3A_64 = arith.constant 2500 : i32
      %lt3A_65 = arith.cmpi slt, %add3A_63, %lt3A_64 : i32
      %convert_element_type3A_66 = arith.extui %lt3A_65 : i1 to i32
      %cond3A_67 = arith.constant 0 : i32
      %cond3A_68 = arith.cmpi ne, %convert_element_type3A_66, %cond3A_67 : i32
      scf.if %cond3A_68 {
        %dma_wait3A = arith.constant 0 : i32
        %dma_wait3A_69 = tpu.memref_slice %arg3[%dma_wait3A] : memref<320000xi32, #tpu.memory_space<hbm>> -> memref<128xi32, #tpu.memory_space<hbm>>
        %dma_wait3A_70 = arith.constant 0 : i32
        %dma_wait3A_71 = tpu.memref_slice %arg3[%dma_wait3A_70] : memref<320000xi32, #tpu.memory_space<hbm>> -> memref<128xi32, #tpu.memory_space<hbm>>
        tpu.wait_dma2 semaphore(%arg13 : memref<!tpu.dma_semaphore, #tpu.memory_space<semaphore_mem>>) src(%dma_wait3A_71 : memref<128xi32, #tpu.memory_space<hbm>>) dst(%arg9 : memref<128xi32, #tpu.memory_space<vmem>>)
        %dma_wait3A_72 = arith.constant 0 : i32
        %dma_wait3A_73 = arith.constant 0 : i32
        %dma_wait3A_74 = tpu.memref_slice %arg2[%dma_wait3A_72, %dma_wait3A_73] : memref<320000x128xf32, #tpu.memory_space<hbm>> -> memref<128x128xf32, #tpu.memory_space<hbm>>
        %dma_wait3A_75 = arith.constant 0 : i32
        %dma_wait3A_76 = arith.constant 0 : i32
        %dma_wait3A_77 = tpu.memref_slice %arg2[%dma_wait3A_75, %dma_wait3A_76] : memref<320000x128xf32, #tpu.memory_space<hbm>> -> memref<128x128xf32, #tpu.memory_space<hbm>>
        tpu.wait_dma2 semaphore(%arg11 : memref<!tpu.dma_semaphore, #tpu.memory_space<semaphore_mem>>) src(%dma_wait3A_77 : memref<128x128xf32, #tpu.memory_space<hbm>>) dst(%arg7 : memref<128x128xf32, #tpu.memory_space<vmem>>)
        "tpu.region"() ({
          %run_scoped3A = tpu.sem_alloc : memref<!tpu.dma_semaphore, #tpu.memory_space<semaphore_mem>>
          %dma_start3A_85 = arith.constant 0 : i32
          %dma_start3A_86 = arith.constant 0 : i32
          %dma_start3A_87 = tpu.memref_slice %arg14[%dma_start3A_85, %dma_start3A_86] : memref<10240x128xf32, #tpu.memory_space<vmem_shared>> -> memref<10240x128xf32, #tpu.memory_space<vmem_shared>>
          tpu.enqueue_indirect_dma source(%arg7 : memref<128x128xf32, #tpu.memory_space<vmem>>) target(%dma_start3A_87 : memref<10240x128xf32, #tpu.memory_space<vmem_shared>>) offsets(%arg9 : memref<128xi32, #tpu.memory_space<vmem>>) semaphore(%run_scoped3A : memref<!tpu.dma_semaphore, #tpu.memory_space<semaphore_mem>>) {add = true}
          %dma_wait3A_88 = arith.constant 0 : i32
          %dma_wait3A_89 = arith.constant 0 : i32
          %dma_wait3A_90 = tpu.memref_slice %arg14[%dma_wait3A_88, %dma_wait3A_89] : memref<10240x128xf32, #tpu.memory_space<vmem_shared>> -> memref<10240x128xf32, #tpu.memory_space<vmem_shared>>
          tpu.wait_indirect_dma semaphore(%run_scoped3A : memref<!tpu.dma_semaphore, #tpu.memory_space<semaphore_mem>>) src(%arg7 : memref<128x128xf32, #tpu.memory_space<vmem>>) dst(%dma_wait3A_90 : memref<10240x128xf32, #tpu.memory_space<vmem_shared>>)
          tpu.yield
        }) : () -> ()
        %add3A_78 = arith.constant 64 : i32
        %add3A_79 = arith.addi %add3A_63, %add3A_78 : i32
        %lt3A_80 = arith.constant 2500 : i32
        %lt3A_81 = arith.cmpi slt, %add3A_79, %lt3A_80 : i32
        %convert_element_type3A_82 = arith.extui %lt3A_81 : i1 to i32
        %cond3A_83 = arith.constant 0 : i32
        %cond3A_84 = arith.cmpi ne, %convert_element_type3A_82, %cond3A_83 : i32
        scf.if %cond3A_84 {
          %mul3A_85 = arith.constant 128 : i32
          %mul3A_86 = arith.muli %add3A_79, %mul3A_85 : i32
          %dma_start3A_87 = tpu.memref_slice %arg3[%mul3A_86] : memref<320000xi32, #tpu.memory_space<hbm>> -> memref<128xi32, #tpu.memory_space<hbm>>
          %dma_start3A_88 = tpu.memref_slice %arg3[%mul3A_86] : memref<320000xi32, #tpu.memory_space<hbm>> -> memref<128xi32, #tpu.memory_space<hbm>>
          tpu.enqueue_dma source(%dma_start3A_88 : memref<128xi32, #tpu.memory_space<hbm>>) target(%arg9 : memref<128xi32, #tpu.memory_space<vmem>>) target_semaphore(%arg13 : memref<!tpu.dma_semaphore, #tpu.memory_space<semaphore_mem>>)
          %dma_start3A_89 = arith.constant 0 : i32
          %dma_start3A_90 = tpu.memref_slice %arg2[%mul3A_86, %dma_start3A_89] : memref<320000x128xf32, #tpu.memory_space<hbm>> -> memref<128x128xf32, #tpu.memory_space<hbm>>
          %dma_start3A_91 = arith.constant 0 : i32
          %dma_start3A_92 = tpu.memref_slice %arg2[%mul3A_86, %dma_start3A_91] : memref<320000x128xf32, #tpu.memory_space<hbm>> -> memref<128x128xf32, #tpu.memory_space<hbm>>
          tpu.enqueue_dma source(%dma_start3A_92 : memref<128x128xf32, #tpu.memory_space<hbm>>) target(%arg7 : memref<128x128xf32, #tpu.memory_space<vmem>>) target_semaphore(%arg11 : memref<!tpu.dma_semaphore, #tpu.memory_space<semaphore_mem>>)
        } else {
        }
      } else {
      }
    }
    %scan3A_35 = arith.constant 40 : i32
    %barrier3A_36 = arith.constant 0 : index
    tpu.barrier barrier_id(%barrier3A_36)
    %add3A_37 = arith.constant 0 : i32
    %add3A_38 = arith.addi %mul3A_2, %add3A_37 : i32
    "tpu.region"() ({
      %run_scoped3A = tpu.sem_alloc : memref<!tpu.dma_semaphore, #tpu.memory_space<semaphore_mem>>
      %dma_start3A_47 = arith.constant 0 : i32
      %dma_start3A_48 = tpu.memref_slice %arg14[%add3A_38, %dma_start3A_47] : memref<10240x128xf32, #tpu.memory_space<vmem_shared>> -> memref<128x128xf32, #tpu.memory_space<vmem_shared>>
      %dma_start3A_49 = arith.constant 0 : i32
      %dma_start3A_50 = tpu.memref_slice %arg14[%add3A_38, %dma_start3A_49] : memref<10240x128xf32, #tpu.memory_space<vmem_shared>> -> memref<128x128xf32, #tpu.memory_space<vmem_shared>>
      tpu.enqueue_dma source(%dma_start3A_50 : memref<128x128xf32, #tpu.memory_space<vmem_shared>>) target(%arg6 : memref<128x128xf32, #tpu.memory_space<vmem>>) target_semaphore(%run_scoped3A : memref<!tpu.dma_semaphore, #tpu.memory_space<semaphore_mem>>)
      %dma_wait3A = arith.constant 0 : i32
      %dma_wait3A_51 = tpu.memref_slice %arg14[%add3A_38, %dma_wait3A] : memref<10240x128xf32, #tpu.memory_space<vmem_shared>> -> memref<128x128xf32, #tpu.memory_space<vmem_shared>>
      %dma_wait3A_52 = arith.constant 0 : i32
      %dma_wait3A_53 = tpu.memref_slice %arg14[%add3A_38, %dma_wait3A_52] : memref<10240x128xf32, #tpu.memory_space<vmem_shared>> -> memref<128x128xf32, #tpu.memory_space<vmem_shared>>
      tpu.wait_dma2 semaphore(%run_scoped3A : memref<!tpu.dma_semaphore, #tpu.memory_space<semaphore_mem>>) src(%dma_wait3A_53 : memref<128x128xf32, #tpu.memory_space<vmem_shared>>) dst(%arg6 : memref<128x128xf32, #tpu.memory_space<vmem>>)
      tpu.yield
    }) : () -> ()
    "tpu.region"() ({
      %run_scoped3A = tpu.sem_alloc : memref<!tpu.dma_semaphore, #tpu.memory_space<semaphore_mem>>
      %dma_start3A_47 = arith.constant 0 : i32
      %dma_start3A_48 = tpu.memref_slice %arg5[%arg0, %add3A_38, %dma_start3A_47] : memref<2x10240x128xf32, #tpu.memory_space<hbm>> -> memref<1x128x128xf32, #tpu.memory_space<hbm>>
      %dma_start3A_49 = tpu.memref_squeeze %dma_start3A_48 : memref<1x128x128xf32, #tpu.memory_space<hbm>> -> memref<128x128xf32, #tpu.memory_space<hbm>>
      %dma_start3A_50 = arith.constant 0 : i32
      %dma_start3A_51 = tpu.memref_slice %arg5[%arg0, %add3A_38, %dma_start3A_50] : memref<2x10240x128xf32, #tpu.memory_space<hbm>> -> memref<1x128x128xf32, #tpu.memory_space<hbm>>
      %dma_start3A_52 = tpu.memref_squeeze %dma_start3A_51 : memref<1x128x128xf32, #tpu.memory_space<hbm>> -> memref<128x128xf32, #tpu.memory_space<hbm>>
      tpu.enqueue_dma source(%arg6 : memref<128x128xf32, #tpu.memory_space<vmem>>) target(%dma_start3A_52 : memref<128x128xf32, #tpu.memory_space<hbm>>) target_semaphore(%run_scoped3A : memref<!tpu.dma_semaphore, #tpu.memory_space<semaphore_mem>>)
      %dma_wait3A = arith.constant 0 : i32
      %dma_wait3A_53 = tpu.memref_slice %arg5[%arg0, %add3A_38, %dma_wait3A] : memref<2x10240x128xf32, #tpu.memory_space<hbm>> -> memref<1x128x128xf32, #tpu.memory_space<hbm>>
      %dma_wait3A_54 = tpu.memref_squeeze %dma_wait3A_53 : memref<1x128x128xf32, #tpu.memory_space<hbm>> -> memref<128x128xf32, #tpu.memory_space<hbm>>
      %dma_wait3A_55 = arith.constant 0 : i32
      %dma_wait3A_56 = tpu.memref_slice %arg5[%arg0, %add3A_38, %dma_wait3A_55] : memref<2x10240x128xf32, #tpu.memory_space<hbm>> -> memref<1x128x128xf32, #tpu.memory_space<hbm>>
      %dma_wait3A_57 = tpu.memref_squeeze %dma_wait3A_56 : memref<1x128x128xf32, #tpu.memory_space<hbm>> -> memref<128x128xf32, #tpu.memory_space<hbm>>
      tpu.wait_dma2 semaphore(%run_scoped3A : memref<!tpu.dma_semaphore, #tpu.memory_space<semaphore_mem>>) src(%arg6 : memref<128x128xf32, #tpu.memory_space<vmem>>) dst(%dma_wait3A_57 : memref<128x128xf32, #tpu.memory_space<hbm>>)
      tpu.yield
    }) : () -> ()
    %add3A_39 = arith.constant 128 : i32
    %add3A_40 = arith.addi %mul3A_2, %add3A_39 : i32
    "tpu.region"() ({
      %run_scoped3A = tpu.sem_alloc : memref<!tpu.dma_semaphore, #tpu.memory_space<semaphore_mem>>
      %dma_start3A_47 = arith.constant 0 : i32
      %dma_start3A_48 = tpu.memref_slice %arg14[%add3A_40, %dma_start3A_47] : memref<10240x128xf32, #tpu.memory_space<vmem_shared>> -> memref<128x128xf32, #tpu.memory_space<vmem_shared>>
      %dma_start3A_49 = arith.constant 0 : i32
      %dma_start3A_50 = tpu.memref_slice %arg14[%add3A_40, %dma_start3A_49] : memref<10240x128xf32, #tpu.memory_space<vmem_shared>> -> memref<128x128xf32, #tpu.memory_space<vmem_shared>>
      tpu.enqueue_dma source(%dma_start3A_50 : memref<128x128xf32, #tpu.memory_space<vmem_shared>>) target(%arg6 : memref<128x128xf32, #tpu.memory_space<vmem>>) target_semaphore(%run_scoped3A : memref<!tpu.dma_semaphore, #tpu.memory_space<semaphore_mem>>)
      %dma_wait3A = arith.constant 0 : i32
      %dma_wait3A_51 = tpu.memref_slice %arg14[%add3A_40, %dma_wait3A] : memref<10240x128xf32, #tpu.memory_space<vmem_shared>> -> memref<128x128xf32, #tpu.memory_space<vmem_shared>>
      %dma_wait3A_52 = arith.constant 0 : i32
      %dma_wait3A_53 = tpu.memref_slice %arg14[%add3A_40, %dma_wait3A_52] : memref<10240x128xf32, #tpu.memory_space<vmem_shared>> -> memref<128x128xf32, #tpu.memory_space<vmem_shared>>
      tpu.wait_dma2 semaphore(%run_scoped3A : memref<!tpu.dma_semaphore, #tpu.memory_space<semaphore_mem>>) src(%dma_wait3A_53 : memref<128x128xf32, #tpu.memory_space<vmem_shared>>) dst(%arg6 : memref<128x128xf32, #tpu.memory_space<vmem>>)
      tpu.yield
    }) : () -> ()
    "tpu.region"() ({
      %run_scoped3A = tpu.sem_alloc : memref<!tpu.dma_semaphore, #tpu.memory_space<semaphore_mem>>
      %dma_start3A_47 = arith.constant 0 : i32
      %dma_start3A_48 = tpu.memref_slice %arg5[%arg0, %add3A_40, %dma_start3A_47] : memref<2x10240x128xf32, #tpu.memory_space<hbm>> -> memref<1x128x128xf32, #tpu.memory_space<hbm>>
      %dma_start3A_49 = tpu.memref_squeeze %dma_start3A_48 : memref<1x128x128xf32, #tpu.memory_space<hbm>> -> memref<128x128xf32, #tpu.memory_space<hbm>>
      %dma_start3A_50 = arith.constant 0 : i32
      %dma_start3A_51 = tpu.memref_slice %arg5[%arg0, %add3A_40, %dma_start3A_50] : memref<2x10240x128xf32, #tpu.memory_space<hbm>> -> memref<1x128x128xf32, #tpu.memory_space<hbm>>
      %dma_start3A_52 = tpu.memref_squeeze %dma_start3A_51 : memref<1x128x128xf32, #tpu.memory_space<hbm>> -> memref<128x128xf32, #tpu.memory_space<hbm>>
      tpu.enqueue_dma source(%arg6 : memref<128x128xf32, #tpu.memory_space<vmem>>) target(%dma_start3A_52 : memref<128x128xf32, #tpu.memory_space<hbm>>) target_semaphore(%run_scoped3A : memref<!tpu.dma_semaphore, #tpu.memory_space<semaphore_mem>>)
      %dma_wait3A = arith.constant 0 : i32
      %dma_wait3A_53 = tpu.memref_slice %arg5[%arg0, %add3A_40, %dma_wait3A] : memref<2x10240x128xf32, #tpu.memory_space<hbm>> -> memref<1x128x128xf32, #tpu.memory_space<hbm>>
      %dma_wait3A_54 = tpu.memref_squeeze %dma_wait3A_53 : memref<1x128x128xf32, #tpu.memory_space<hbm>> -> memref<128x128xf32, #tpu.memory_space<hbm>>
      %dma_wait3A_55 = arith.constant 0 : i32
      %dma_wait3A_56 = tpu.memref_slice %arg5[%arg0, %add3A_40, %dma_wait3A_55] : memref<2x10240x128xf32, #tpu.memory_space<hbm>> -> memref<1x128x128xf32, #tpu.memory_space<hbm>>
      %dma_wait3A_57 = tpu.memref_squeeze %dma_wait3A_56 : memref<1x128x128xf32, #tpu.memory_space<hbm>> -> memref<128x128xf32, #tpu.memory_space<hbm>>
      tpu.wait_dma2 semaphore(%run_scoped3A : memref<!tpu.dma_semaphore, #tpu.memory_space<semaphore_mem>>) src(%arg6 : memref<128x128xf32, #tpu.memory_space<vmem>>) dst(%dma_wait3A_57 : memref<128x128xf32, #tpu.memory_space<hbm>>)
      tpu.yield
    }) : () -> ()
    %add3A_41 = arith.constant 256 : i32
    %add3A_42 = arith.addi %mul3A_2, %add3A_41 : i32
    "tpu.region"() ({
      %run_scoped3A = tpu.sem_alloc : memref<!tpu.dma_semaphore, #tpu.memory_space<semaphore_mem>>
      %dma_start3A_47 = arith.constant 0 : i32
      %dma_start3A_48 = tpu.memref_slice %arg14[%add3A_42, %dma_start3A_47] : memref<10240x128xf32, #tpu.memory_space<vmem_shared>> -> memref<128x128xf32, #tpu.memory_space<vmem_shared>>
      %dma_start3A_49 = arith.constant 0 : i32
      %dma_start3A_50 = tpu.memref_slice %arg14[%add3A_42, %dma_start3A_49] : memref<10240x128xf32, #tpu.memory_space<vmem_shared>> -> memref<128x128xf32, #tpu.memory_space<vmem_shared>>
      tpu.enqueue_dma source(%dma_start3A_50 : memref<128x128xf32, #tpu.memory_space<vmem_shared>>) target(%arg6 : memref<128x128xf32, #tpu.memory_space<vmem>>) target_semaphore(%run_scoped3A : memref<!tpu.dma_semaphore, #tpu.memory_space<semaphore_mem>>)
      %dma_wait3A = arith.constant 0 : i32
      %dma_wait3A_51 = tpu.memref_slice %arg14[%add3A_42, %dma_wait3A] : memref<10240x128xf32, #tpu.memory_space<vmem_shared>> -> memref<128x128xf32, #tpu.memory_space<vmem_shared>>
      %dma_wait3A_52 = arith.constant 0 : i32
      %dma_wait3A_53 = tpu.memref_slice %arg14[%add3A_42, %dma_wait3A_52] : memref<10240x128xf32, #tpu.memory_space<vmem_shared>> -> memref<128x128xf32, #tpu.memory_space<vmem_shared>>
      tpu.wait_dma2 semaphore(%run_scoped3A : memref<!tpu.dma_semaphore, #tpu.memory_space<semaphore_mem>>) src(%dma_wait3A_53 : memref<128x128xf32, #tpu.memory_space<vmem_shared>>) dst(%arg6 : memref<128x128xf32, #tpu.memory_space<vmem>>)
      tpu.yield
    }) : () -> ()
    "tpu.region"() ({
      %run_scoped3A = tpu.sem_alloc : memref<!tpu.dma_semaphore, #tpu.memory_space<semaphore_mem>>
      %dma_start3A_47 = arith.constant 0 : i32
      %dma_start3A_48 = tpu.memref_slice %arg5[%arg0, %add3A_42, %dma_start3A_47] : memref<2x10240x128xf32, #tpu.memory_space<hbm>> -> memref<1x128x128xf32, #tpu.memory_space<hbm>>
      %dma_start3A_49 = tpu.memref_squeeze %dma_start3A_48 : memref<1x128x128xf32, #tpu.memory_space<hbm>> -> memref<128x128xf32, #tpu.memory_space<hbm>>
      %dma_start3A_50 = arith.constant 0 : i32
      %dma_start3A_51 = tpu.memref_slice %arg5[%arg0, %add3A_42, %dma_start3A_50] : memref<2x10240x128xf32, #tpu.memory_space<hbm>> -> memref<1x128x128xf32, #tpu.memory_space<hbm>>
      %dma_start3A_52 = tpu.memref_squeeze %dma_start3A_51 : memref<1x128x128xf32, #tpu.memory_space<hbm>> -> memref<128x128xf32, #tpu.memory_space<hbm>>
      tpu.enqueue_dma source(%arg6 : memref<128x128xf32, #tpu.memory_space<vmem>>) target(%dma_start3A_52 : memref<128x128xf32, #tpu.memory_space<hbm>>) target_semaphore(%run_scoped3A : memref<!tpu.dma_semaphore, #tpu.memory_space<semaphore_mem>>)
      %dma_wait3A = arith.constant 0 : i32
      %dma_wait3A_53 = tpu.memref_slice %arg5[%arg0, %add3A_42, %dma_wait3A] : memref<2x10240x128xf32, #tpu.memory_space<hbm>> -> memref<1x128x128xf32, #tpu.memory_space<hbm>>
      %dma_wait3A_54 = tpu.memref_squeeze %dma_wait3A_53 : memref<1x128x128xf32, #tpu.memory_space<hbm>> -> memref<128x128xf32, #tpu.memory_space<hbm>>
      %dma_wait3A_55 = arith.constant 0 : i32
      %dma_wait3A_56 = tpu.memref_slice %arg5[%arg0, %add3A_42, %dma_wait3A_55] : memref<2x10240x128xf32, #tpu.memory_space<hbm>> -> memref<1x128x128xf32, #tpu.memory_space<hbm>>
      %dma_wait3A_57 = tpu.memref_squeeze %dma_wait3A_56 : memref<1x128x128xf32, #tpu.memory_space<hbm>> -> memref<128x128xf32, #tpu.memory_space<hbm>>
      tpu.wait_dma2 semaphore(%run_scoped3A : memref<!tpu.dma_semaphore, #tpu.memory_space<semaphore_mem>>) src(%arg6 : memref<128x128xf32, #tpu.memory_space<vmem>>) dst(%dma_wait3A_57 : memref<128x128xf32, #tpu.memory_space<hbm>>)
      tpu.yield
    }) : () -> ()
    %add3A_43 = arith.constant 384 : i32
    %add3A_44 = arith.addi %mul3A_2, %add3A_43 : i32
    "tpu.region"() ({
      %run_scoped3A = tpu.sem_alloc : memref<!tpu.dma_semaphore, #tpu.memory_space<semaphore_mem>>
      %dma_start3A_47 = arith.constant 0 : i32
      %dma_start3A_48 = tpu.memref_slice %arg14[%add3A_44, %dma_start3A_47] : memref<10240x128xf32, #tpu.memory_space<vmem_shared>> -> memref<128x128xf32, #tpu.memory_space<vmem_shared>>
      %dma_start3A_49 = arith.constant 0 : i32
      %dma_start3A_50 = tpu.memref_slice %arg14[%add3A_44, %dma_start3A_49] : memref<10240x128xf32, #tpu.memory_space<vmem_shared>> -> memref<128x128xf32, #tpu.memory_space<vmem_shared>>
      tpu.enqueue_dma source(%dma_start3A_50 : memref<128x128xf32, #tpu.memory_space<vmem_shared>>) target(%arg6 : memref<128x128xf32, #tpu.memory_space<vmem>>) target_semaphore(%run_scoped3A : memref<!tpu.dma_semaphore, #tpu.memory_space<semaphore_mem>>)
      %dma_wait3A = arith.constant 0 : i32
      %dma_wait3A_51 = tpu.memref_slice %arg14[%add3A_44, %dma_wait3A] : memref<10240x128xf32, #tpu.memory_space<vmem_shared>> -> memref<128x128xf32, #tpu.memory_space<vmem_shared>>
      %dma_wait3A_52 = arith.constant 0 : i32
      %dma_wait3A_53 = tpu.memref_slice %arg14[%add3A_44, %dma_wait3A_52] : memref<10240x128xf32, #tpu.memory_space<vmem_shared>> -> memref<128x128xf32, #tpu.memory_space<vmem_shared>>
      tpu.wait_dma2 semaphore(%run_scoped3A : memref<!tpu.dma_semaphore, #tpu.memory_space<semaphore_mem>>) src(%dma_wait3A_53 : memref<128x128xf32, #tpu.memory_space<vmem_shared>>) dst(%arg6 : memref<128x128xf32, #tpu.memory_space<vmem>>)
      tpu.yield
    }) : () -> ()
    "tpu.region"() ({
      %run_scoped3A = tpu.sem_alloc : memref<!tpu.dma_semaphore, #tpu.memory_space<semaphore_mem>>
      %dma_start3A_47 = arith.constant 0 : i32
      %dma_start3A_48 = tpu.memref_slice %arg5[%arg0, %add3A_44, %dma_start3A_47] : memref<2x10240x128xf32, #tpu.memory_space<hbm>> -> memref<1x128x128xf32, #tpu.memory_space<hbm>>
      %dma_start3A_49 = tpu.memref_squeeze %dma_start3A_48 : memref<1x128x128xf32, #tpu.memory_space<hbm>> -> memref<128x128xf32, #tpu.memory_space<hbm>>
      %dma_start3A_50 = arith.constant 0 : i32
      %dma_start3A_51 = tpu.memref_slice %arg5[%arg0, %add3A_44, %dma_start3A_50] : memref<2x10240x128xf32, #tpu.memory_space<hbm>> -> memref<1x128x128xf32, #tpu.memory_space<hbm>>
      %dma_start3A_52 = tpu.memref_squeeze %dma_start3A_51 : memref<1x128x128xf32, #tpu.memory_space<hbm>> -> memref<128x128xf32, #tpu.memory_space<hbm>>
      tpu.enqueue_dma source(%arg6 : memref<128x128xf32, #tpu.memory_space<vmem>>) target(%dma_start3A_52 : memref<128x128xf32, #tpu.memory_space<hbm>>) target_semaphore(%run_scoped3A : memref<!tpu.dma_semaphore, #tpu.memory_space<semaphore_mem>>)
      %dma_wait3A = arith.constant 0 : i32
      %dma_wait3A_53 = tpu.memref_slice %arg5[%arg0, %add3A_44, %dma_wait3A] : memref<2x10240x128xf32, #tpu.memory_space<hbm>> -> memref<1x128x128xf32, #tpu.memory_space<hbm>>
      %dma_wait3A_54 = tpu.memref_squeeze %dma_wait3A_53 : memref<1x128x128xf32, #tpu.memory_space<hbm>> -> memref<128x128xf32, #tpu.memory_space<hbm>>
      %dma_wait3A_55 = arith.constant 0 : i32
      %dma_wait3A_56 = tpu.memref_slice %arg5[%arg0, %add3A_44, %dma_wait3A_55] : memref<2x10240x128xf32, #tpu.memory_space<hbm>> -> memref<1x128x128xf32, #tpu.memory_space<hbm>>
      %dma_wait3A_57 = tpu.memref_squeeze %dma_wait3A_56 : memref<1x128x128xf32, #tpu.memory_space<hbm>> -> memref<128x128xf32, #tpu.memory_space<hbm>>
      tpu.wait_dma2 semaphore(%run_scoped3A : memref<!tpu.dma_semaphore, #tpu.memory_space<semaphore_mem>>) src(%arg6 : memref<128x128xf32, #tpu.memory_space<vmem>>) dst(%dma_wait3A_57 : memref<128x128xf32, #tpu.memory_space<hbm>>)
      tpu.yield
    }) : () -> ()
    %add3A_45 = arith.constant 512 : i32
    %add3A_46 = arith.addi %mul3A_2, %add3A_45 : i32
    "tpu.region"() ({
      %run_scoped3A = tpu.sem_alloc : memref<!tpu.dma_semaphore, #tpu.memory_space<semaphore_mem>>
      %dma_start3A_47 = arith.constant 0 : i32
      %dma_start3A_48 = tpu.memref_slice %arg14[%add3A_46, %dma_start3A_47] : memref<10240x128xf32, #tpu.memory_space<vmem_shared>> -> memref<128x128xf32, #tpu.memory_space<vmem_shared>>
      %dma_start3A_49 = arith.constant 0 : i32
      %dma_start3A_50 = tpu.memref_slice %arg14[%add3A_46, %dma_start3A_49] : memref<10240x128xf32, #tpu.memory_space<vmem_shared>> -> memref<128x128xf32, #tpu.memory_space<vmem_shared>>
      tpu.enqueue_dma source(%dma_start3A_50 : memref<128x128xf32, #tpu.memory_space<vmem_shared>>) target(%arg6 : memref<128x128xf32, #tpu.memory_space<vmem>>) target_semaphore(%run_scoped3A : memref<!tpu.dma_semaphore, #tpu.memory_space<semaphore_mem>>)
      %dma_wait3A = arith.constant 0 : i32
      %dma_wait3A_51 = tpu.memref_slice %arg14[%add3A_46, %dma_wait3A] : memref<10240x128xf32, #tpu.memory_space<vmem_shared>> -> memref<128x128xf32, #tpu.memory_space<vmem_shared>>
      %dma_wait3A_52 = arith.constant 0 : i32
      %dma_wait3A_53 = tpu.memref_slice %arg14[%add3A_46, %dma_wait3A_52] : memref<10240x128xf32, #tpu.memory_space<vmem_shared>> -> memref<128x128xf32, #tpu.memory_space<vmem_shared>>
      tpu.wait_dma2 semaphore(%run_scoped3A : memref<!tpu.dma_semaphore, #tpu.memory_space<semaphore_mem>>) src(%dma_wait3A_53 : memref<128x128xf32, #tpu.memory_space<vmem_shared>>) dst(%arg6 : memref<128x128xf32, #tpu.memory_space<vmem>>)
      tpu.yield
    }) : () -> ()
    "tpu.region"() ({
      %run_scoped3A = tpu.sem_alloc : memref<!tpu.dma_semaphore, #tpu.memory_space<semaphore_mem>>
      %dma_start3A_47 = arith.constant 0 : i32
      %dma_start3A_48 = tpu.memref_slice %arg5[%arg0, %add3A_46, %dma_start3A_47] : memref<2x10240x128xf32, #tpu.memory_space<hbm>> -> memref<1x128x128xf32, #tpu.memory_space<hbm>>
      %dma_start3A_49 = tpu.memref_squeeze %dma_start3A_48 : memref<1x128x128xf32, #tpu.memory_space<hbm>> -> memref<128x128xf32, #tpu.memory_space<hbm>>
      %dma_start3A_50 = arith.constant 0 : i32
      %dma_start3A_51 = tpu.memref_slice %arg5[%arg0, %add3A_46, %dma_start3A_50] : memref<2x10240x128xf32, #tpu.memory_space<hbm>> -> memref<1x128x128xf32, #tpu.memory_space<hbm>>
      %dma_start3A_52 = tpu.memref_squeeze %dma_start3A_51 : memref<1x128x128xf32, #tpu.memory_space<hbm>> -> memref<128x128xf32, #tpu.memory_space<hbm>>
      tpu.enqueue_dma source(%arg6 : memref<128x128xf32, #tpu.memory_space<vmem>>) target(%dma_start3A_52 : memref<128x128xf32, #tpu.memory_space<hbm>>) target_semaphore(%run_scoped3A : memref<!tpu.dma_semaphore, #tpu.memory_space<semaphore_mem>>)
      %dma_wait3A = arith.constant 0 : i32
      %dma_wait3A_53 = tpu.memref_slice %arg5[%arg0, %add3A_46, %dma_wait3A] : memref<2x10240x128xf32, #tpu.memory_space<hbm>> -> memref<1x128x128xf32, #tpu.memory_space<hbm>>
      %dma_wait3A_54 = tpu.memref_squeeze %dma_wait3A_53 : memref<1x128x128xf32, #tpu.memory_space<hbm>> -> memref<128x128xf32, #tpu.memory_space<hbm>>
      %dma_wait3A_55 = arith.constant 0 : i32
      %dma_wait3A_56 = tpu.memref_slice %arg5[%arg0, %add3A_46, %dma_wait3A_55] : memref<2x10240x128xf32, #tpu.memory_space<hbm>> -> memref<1x128x128xf32, #tpu.memory_space<hbm>>
      %dma_wait3A_57 = tpu.memref_squeeze %dma_wait3A_56 : memref<1x128x128xf32, #tpu.memory_space<hbm>> -> memref<128x128xf32, #tpu.memory_space<hbm>>
      tpu.wait_dma2 semaphore(%run_scoped3A : memref<!tpu.dma_semaphore, #tpu.memory_space<semaphore_mem>>) src(%arg6 : memref<128x128xf32, #tpu.memory_space<vmem>>) dst(%dma_wait3A_57 : memref<128x128xf32, #tpu.memory_space<hbm>>)
      tpu.yield
    }) : () -> ()
    return
  }
}

#map = affine_map<(d0, d1) -> (0, 0)>
#map1 = affine_map<(d0, d1) -> (0)>
#map2 = affine_map<(d0, d1) -> (0, 0, 0)>
module attributes {stable_mosaic.version = 14 : i64} {
  func.func @_num_body(%arg0: i32, %arg1: i32, %arg2: memref<320000x128xf32, #tpu.memory_space<hbm>>, %arg3: memref<320000xi32, #tpu.memory_space<hbm>>, %arg4: memref<128x128xf32, #tpu.memory_space<hbm>>, %arg5: memref<2x10240x128xf32, #tpu.memory_space<hbm>>, %arg6: memref<128x128xf32, #tpu.memory_space<vmem>>, %arg7: memref<128x128xf32, #tpu.memory_space<vmem>>, %arg8: memref<128xi32, #tpu.memory_space<vmem>>, %arg9: memref<128xi32, #tpu.memory_space<vmem>>, %arg10: memref<!tpu.dma_semaphore, #tpu.memory_space<semaphore_mem>>, %arg11: memref<!tpu.dma_semaphore, #tpu.memory_space<semaphore_mem>>, %arg12: memref<!tpu.dma_semaphore, #tpu.memory_space<semaphore_mem>>, %arg13: memref<!tpu.dma_semaphore, #tpu.memory_space<semaphore_mem>>, %arg14: memref<10240x128xf32, #tpu.memory_space<vmem_shared>>) attributes {dimension_semantics = [#tpu.dimension_semantics<core_parallel>, #tpu.dimension_semantics<subcore_parallel>], iteration_bounds = array<i64: 2, 16>, scalar_prefetch = 0 : i64, scratch_operands = 9 : i64, tpu.core_type = #tpu.core_type<sc_vector_subcore>, window_params = [{transform_indices = #map}, {transform_indices = #map1}, {transform_indices = #map}, {transform_indices = #map2}]} {
    %mul3A = arith.constant 16 : i32
    %mul3A_0 = arith.muli %arg0, %mul3A : i32
    %add3A = arith.addi %mul3A_0, %arg1 : i32
    %mul3A_1 = arith.constant 640 : i32
    %mul3A_2 = arith.muli %arg1, %mul3A_1 : i32
    "tpu.region"() ({
      %run_scoped3A = tpu.sem_alloc : memref<!tpu.dma_semaphore, #tpu.memory_space<semaphore_mem>>
      tpu.enqueue_dma source(%arg4 : memref<128x128xf32, #tpu.memory_space<hbm>>) target(%arg6 : memref<128x128xf32, #tpu.memory_space<vmem>>) target_semaphore(%run_scoped3A : memref<!tpu.dma_semaphore, #tpu.memory_space<semaphore_mem>>)
      tpu.wait_dma2 semaphore(%run_scoped3A : memref<!tpu.dma_semaphore, #tpu.memory_space<semaphore_mem>>) src(%arg4 : memref<128x128xf32, #tpu.memory_space<hbm>>) dst(%arg6 : memref<128x128xf32, #tpu.memory_space<vmem>>)
      tpu.yield
    }) : () -> ()
    %add3A_3 = arith.constant 0 : i32
    %add3A_4 = arith.addi %mul3A_2, %add3A_3 : i32
    "tpu.region"() ({
      %run_scoped3A = tpu.sem_alloc : memref<!tpu.dma_semaphore, #tpu.memory_space<semaphore_mem>>
      %dma_start3A_47 = arith.constant 0 : i32
      %dma_start3A_48 = tpu.memref_slice %arg14[%add3A_4, %dma_start3A_47] : memref<10240x128xf32, #tpu.memory_space<vmem_shared>> -> memref<128x128xf32, #tpu.memory_space<vmem_shared>>
      %dma_start3A_49 = arith.constant 0 : i32
      %dma_start3A_50 = tpu.memref_slice %arg14[%add3A_4, %dma_start3A_49] : memref<10240x128xf32, #tpu.memory_space<vmem_shared>> -> memref<128x128xf32, #tpu.memory_space<vmem_shared>>
      tpu.enqueue_dma source(%arg6 : memref<128x128xf32, #tpu.memory_space<vmem>>) target(%dma_start3A_50 : memref<128x128xf32, #tpu.memory_space<vmem_shared>>) target_semaphore(%run_scoped3A : memref<!tpu.dma_semaphore, #tpu.memory_space<semaphore_mem>>)
      %dma_wait3A = arith.constant 0 : i32
      %dma_wait3A_51 = tpu.memref_slice %arg14[%add3A_4, %dma_wait3A] : memref<10240x128xf32, #tpu.memory_space<vmem_shared>> -> memref<128x128xf32, #tpu.memory_space<vmem_shared>>
      %dma_wait3A_52 = arith.constant 0 : i32
      %dma_wait3A_53 = tpu.memref_slice %arg14[%add3A_4, %dma_wait3A_52] : memref<10240x128xf32, #tpu.memory_space<vmem_shared>> -> memref<128x128xf32, #tpu.memory_space<vmem_shared>>
      tpu.wait_dma2 semaphore(%run_scoped3A : memref<!tpu.dma_semaphore, #tpu.memory_space<semaphore_mem>>) src(%arg6 : memref<128x128xf32, #tpu.memory_space<vmem>>) dst(%dma_wait3A_53 : memref<128x128xf32, #tpu.memory_space<vmem_shared>>)
      tpu.yield
    }) : () -> ()
    %add3A_5 = arith.constant 128 : i32
    %add3A_6 = arith.addi %mul3A_2, %add3A_5 : i32
    "tpu.region"() ({
      %run_scoped3A = tpu.sem_alloc : memref<!tpu.dma_semaphore, #tpu.memory_space<semaphore_mem>>
      %dma_start3A_47 = arith.constant 0 : i32
      %dma_start3A_48 = tpu.memref_slice %arg14[%add3A_6, %dma_start3A_47] : memref<10240x128xf32, #tpu.memory_space<vmem_shared>> -> memref<128x128xf32, #tpu.memory_space<vmem_shared>>
      %dma_start3A_49 = arith.constant 0 : i32
      %dma_start3A_50 = tpu.memref_slice %arg14[%add3A_6, %dma_start3A_49] : memref<10240x128xf32, #tpu.memory_space<vmem_shared>> -> memref<128x128xf32, #tpu.memory_space<vmem_shared>>
      tpu.enqueue_dma source(%arg6 : memref<128x128xf32, #tpu.memory_space<vmem>>) target(%dma_start3A_50 : memref<128x128xf32, #tpu.memory_space<vmem_shared>>) target_semaphore(%run_scoped3A : memref<!tpu.dma_semaphore, #tpu.memory_space<semaphore_mem>>)
      %dma_wait3A = arith.constant 0 : i32
      %dma_wait3A_51 = tpu.memref_slice %arg14[%add3A_6, %dma_wait3A] : memref<10240x128xf32, #tpu.memory_space<vmem_shared>> -> memref<128x128xf32, #tpu.memory_space<vmem_shared>>
      %dma_wait3A_52 = arith.constant 0 : i32
      %dma_wait3A_53 = tpu.memref_slice %arg14[%add3A_6, %dma_wait3A_52] : memref<10240x128xf32, #tpu.memory_space<vmem_shared>> -> memref<128x128xf32, #tpu.memory_space<vmem_shared>>
      tpu.wait_dma2 semaphore(%run_scoped3A : memref<!tpu.dma_semaphore, #tpu.memory_space<semaphore_mem>>) src(%arg6 : memref<128x128xf32, #tpu.memory_space<vmem>>) dst(%dma_wait3A_53 : memref<128x128xf32, #tpu.memory_space<vmem_shared>>)
      tpu.yield
    }) : () -> ()
    %add3A_7 = arith.constant 256 : i32
    %add3A_8 = arith.addi %mul3A_2, %add3A_7 : i32
    "tpu.region"() ({
      %run_scoped3A = tpu.sem_alloc : memref<!tpu.dma_semaphore, #tpu.memory_space<semaphore_mem>>
      %dma_start3A_47 = arith.constant 0 : i32
      %dma_start3A_48 = tpu.memref_slice %arg14[%add3A_8, %dma_start3A_47] : memref<10240x128xf32, #tpu.memory_space<vmem_shared>> -> memref<128x128xf32, #tpu.memory_space<vmem_shared>>
      %dma_start3A_49 = arith.constant 0 : i32
      %dma_start3A_50 = tpu.memref_slice %arg14[%add3A_8, %dma_start3A_49] : memref<10240x128xf32, #tpu.memory_space<vmem_shared>> -> memref<128x128xf32, #tpu.memory_space<vmem_shared>>
      tpu.enqueue_dma source(%arg6 : memref<128x128xf32, #tpu.memory_space<vmem>>) target(%dma_start3A_50 : memref<128x128xf32, #tpu.memory_space<vmem_shared>>) target_semaphore(%run_scoped3A : memref<!tpu.dma_semaphore, #tpu.memory_space<semaphore_mem>>)
      %dma_wait3A = arith.constant 0 : i32
      %dma_wait3A_51 = tpu.memref_slice %arg14[%add3A_8, %dma_wait3A] : memref<10240x128xf32, #tpu.memory_space<vmem_shared>> -> memref<128x128xf32, #tpu.memory_space<vmem_shared>>
      %dma_wait3A_52 = arith.constant 0 : i32
      %dma_wait3A_53 = tpu.memref_slice %arg14[%add3A_8, %dma_wait3A_52] : memref<10240x128xf32, #tpu.memory_space<vmem_shared>> -> memref<128x128xf32, #tpu.memory_space<vmem_shared>>
      tpu.wait_dma2 semaphore(%run_scoped3A : memref<!tpu.dma_semaphore, #tpu.memory_space<semaphore_mem>>) src(%arg6 : memref<128x128xf32, #tpu.memory_space<vmem>>) dst(%dma_wait3A_53 : memref<128x128xf32, #tpu.memory_space<vmem_shared>>)
      tpu.yield
    }) : () -> ()
    %add3A_9 = arith.constant 384 : i32
    %add3A_10 = arith.addi %mul3A_2, %add3A_9 : i32
    "tpu.region"() ({
      %run_scoped3A = tpu.sem_alloc : memref<!tpu.dma_semaphore, #tpu.memory_space<semaphore_mem>>
      %dma_start3A_47 = arith.constant 0 : i32
      %dma_start3A_48 = tpu.memref_slice %arg14[%add3A_10, %dma_start3A_47] : memref<10240x128xf32, #tpu.memory_space<vmem_shared>> -> memref<128x128xf32, #tpu.memory_space<vmem_shared>>
      %dma_start3A_49 = arith.constant 0 : i32
      %dma_start3A_50 = tpu.memref_slice %arg14[%add3A_10, %dma_start3A_49] : memref<10240x128xf32, #tpu.memory_space<vmem_shared>> -> memref<128x128xf32, #tpu.memory_space<vmem_shared>>
      tpu.enqueue_dma source(%arg6 : memref<128x128xf32, #tpu.memory_space<vmem>>) target(%dma_start3A_50 : memref<128x128xf32, #tpu.memory_space<vmem_shared>>) target_semaphore(%run_scoped3A : memref<!tpu.dma_semaphore, #tpu.memory_space<semaphore_mem>>)
      %dma_wait3A = arith.constant 0 : i32
      %dma_wait3A_51 = tpu.memref_slice %arg14[%add3A_10, %dma_wait3A] : memref<10240x128xf32, #tpu.memory_space<vmem_shared>> -> memref<128x128xf32, #tpu.memory_space<vmem_shared>>
      %dma_wait3A_52 = arith.constant 0 : i32
      %dma_wait3A_53 = tpu.memref_slice %arg14[%add3A_10, %dma_wait3A_52] : memref<10240x128xf32, #tpu.memory_space<vmem_shared>> -> memref<128x128xf32, #tpu.memory_space<vmem_shared>>
      tpu.wait_dma2 semaphore(%run_scoped3A : memref<!tpu.dma_semaphore, #tpu.memory_space<semaphore_mem>>) src(%arg6 : memref<128x128xf32, #tpu.memory_space<vmem>>) dst(%dma_wait3A_53 : memref<128x128xf32, #tpu.memory_space<vmem_shared>>)
      tpu.yield
    }) : () -> ()
    %add3A_11 = arith.constant 512 : i32
    %add3A_12 = arith.addi %mul3A_2, %add3A_11 : i32
    "tpu.region"() ({
      %run_scoped3A = tpu.sem_alloc : memref<!tpu.dma_semaphore, #tpu.memory_space<semaphore_mem>>
      %dma_start3A_47 = arith.constant 0 : i32
      %dma_start3A_48 = tpu.memref_slice %arg14[%add3A_12, %dma_start3A_47] : memref<10240x128xf32, #tpu.memory_space<vmem_shared>> -> memref<128x128xf32, #tpu.memory_space<vmem_shared>>
      %dma_start3A_49 = arith.constant 0 : i32
      %dma_start3A_50 = tpu.memref_slice %arg14[%add3A_12, %dma_start3A_49] : memref<10240x128xf32, #tpu.memory_space<vmem_shared>> -> memref<128x128xf32, #tpu.memory_space<vmem_shared>>
      tpu.enqueue_dma source(%arg6 : memref<128x128xf32, #tpu.memory_space<vmem>>) target(%dma_start3A_50 : memref<128x128xf32, #tpu.memory_space<vmem_shared>>) target_semaphore(%run_scoped3A : memref<!tpu.dma_semaphore, #tpu.memory_space<semaphore_mem>>)
      %dma_wait3A = arith.constant 0 : i32
      %dma_wait3A_51 = tpu.memref_slice %arg14[%add3A_12, %dma_wait3A] : memref<10240x128xf32, #tpu.memory_space<vmem_shared>> -> memref<128x128xf32, #tpu.memory_space<vmem_shared>>
      %dma_wait3A_52 = arith.constant 0 : i32
      %dma_wait3A_53 = tpu.memref_slice %arg14[%add3A_12, %dma_wait3A_52] : memref<10240x128xf32, #tpu.memory_space<vmem_shared>> -> memref<128x128xf32, #tpu.memory_space<vmem_shared>>
      tpu.wait_dma2 semaphore(%run_scoped3A : memref<!tpu.dma_semaphore, #tpu.memory_space<semaphore_mem>>) src(%arg6 : memref<128x128xf32, #tpu.memory_space<vmem>>) dst(%dma_wait3A_53 : memref<128x128xf32, #tpu.memory_space<vmem_shared>>)
      tpu.yield
    }) : () -> ()
    %add3A_13 = arith.constant 0 : i32
    %add3A_14 = arith.addi %add3A, %add3A_13 : i32
    %mul3A_15 = arith.constant 128 : i32
    %mul3A_16 = arith.muli %add3A_14, %mul3A_15 : i32
    %dma_start3A = tpu.memref_slice %arg3[%mul3A_16] : memref<320000xi32, #tpu.memory_space<hbm>> -> memref<128xi32, #tpu.memory_space<hbm>>
    %dma_start3A_17 = tpu.memref_slice %arg3[%mul3A_16] : memref<320000xi32, #tpu.memory_space<hbm>> -> memref<128xi32, #tpu.memory_space<hbm>>
    tpu.enqueue_dma source(%dma_start3A_17 : memref<128xi32, #tpu.memory_space<hbm>>) target(%arg8 : memref<128xi32, #tpu.memory_space<vmem>>) target_semaphore(%arg12 : memref<!tpu.dma_semaphore, #tpu.memory_space<semaphore_mem>>)
    %dma_start3A_18 = arith.constant 0 : i32
    %dma_start3A_19 = tpu.memref_slice %arg2[%mul3A_16, %dma_start3A_18] : memref<320000x128xf32, #tpu.memory_space<hbm>> -> memref<128x128xf32, #tpu.memory_space<hbm>>
    %dma_start3A_20 = arith.constant 0 : i32
    %dma_start3A_21 = tpu.memref_slice %arg2[%mul3A_16, %dma_start3A_20] : memref<320000x128xf32, #tpu.memory_space<hbm>> -> memref<128x128xf32, #tpu.memory_space<hbm>>
    tpu.enqueue_dma source(%dma_start3A_21 : memref<128x128xf32, #tpu.memory_space<hbm>>) target(%arg6 : memref<128x128xf32, #tpu.memory_space<vmem>>) target_semaphore(%arg10 : memref<!tpu.dma_semaphore, #tpu.memory_space<semaphore_mem>>)
    %add3A_22 = arith.constant 32 : i32
    %add3A_23 = arith.addi %add3A, %add3A_22 : i32
    %mul3A_24 = arith.constant 128 : i32
    %mul3A_25 = arith.muli %add3A_23, %mul3A_24 : i32
    %dma_start3A_26 = tpu.memref_slice %arg3[%mul3A_25] : memref<320000xi32, #tpu.memory_space<hbm>> -> memref<128xi32, #tpu.memory_space<hbm>>
    %dma_start3A_27 = tpu.memref_slice %arg3[%mul3A_25] : memref<320000xi32, #tpu.memory_space<hbm>> -> memref<128xi32, #tpu.memory_space<hbm>>
    tpu.enqueue_dma source(%dma_start3A_27 : memref<128xi32, #tpu.memory_space<hbm>>) target(%arg9 : memref<128xi32, #tpu.memory_space<vmem>>) target_semaphore(%arg13 : memref<!tpu.dma_semaphore, #tpu.memory_space<semaphore_mem>>)
    %dma_start3A_28 = arith.constant 0 : i32
    %dma_start3A_29 = tpu.memref_slice %arg2[%mul3A_25, %dma_start3A_28] : memref<320000x128xf32, #tpu.memory_space<hbm>> -> memref<128x128xf32, #tpu.memory_space<hbm>>
    %dma_start3A_30 = arith.constant 0 : i32
    %dma_start3A_31 = tpu.memref_slice %arg2[%mul3A_25, %dma_start3A_30] : memref<320000x128xf32, #tpu.memory_space<hbm>> -> memref<128x128xf32, #tpu.memory_space<hbm>>
    tpu.enqueue_dma source(%dma_start3A_31 : memref<128x128xf32, #tpu.memory_space<hbm>>) target(%arg7 : memref<128x128xf32, #tpu.memory_space<vmem>>) target_semaphore(%arg11 : memref<!tpu.dma_semaphore, #tpu.memory_space<semaphore_mem>>)
    %barrier3A = arith.constant 0 : index
    tpu.barrier barrier_id(%barrier3A)
    %scan3A = arith.constant 0 : i32
    %scan3A_32 = arith.constant 40 : i32
    %scan3A_33 = arith.addi %scan3A, %scan3A_32 : i32
    %scan3A_34 = arith.constant 1 : i32
    scf.for %scan3A_47 = %scan3A to %scan3A_33 step %scan3A_34  : i32 {
      %mul3A_48 = arith.constant 2 : i32
      %mul3A_49 = arith.muli %scan3A_47, %mul3A_48 : i32
      %add3A_50 = arith.constant 0 : i32
      %add3A_51 = arith.addi %add3A_50, %mul3A_49 : i32
      %add3A_52 = arith.constant 0 : i32
      %add3A_53 = arith.addi %add3A_51, %add3A_52 : i32
      %mul3A_54 = arith.constant 32 : i32
      %mul3A_55 = arith.muli %add3A_53, %mul3A_54 : i32
      %add3A_56 = arith.addi %add3A, %mul3A_55 : i32
      %lt3A = arith.constant 2500 : i32
      %lt3A_57 = arith.cmpi slt, %add3A_56, %lt3A : i32
      %convert_element_type3A = arith.extui %lt3A_57 : i1 to i32
      %cond3A = arith.constant 0 : i32
      %cond3A_58 = arith.cmpi ne, %convert_element_type3A, %cond3A : i32
      scf.if %cond3A_58 {
        %dma_wait3A = arith.constant 0 : i32
        %dma_wait3A_69 = tpu.memref_slice %arg3[%dma_wait3A] : memref<320000xi32, #tpu.memory_space<hbm>> -> memref<128xi32, #tpu.memory_space<hbm>>
        %dma_wait3A_70 = arith.constant 0 : i32
        %dma_wait3A_71 = tpu.memref_slice %arg3[%dma_wait3A_70] : memref<320000xi32, #tpu.memory_space<hbm>> -> memref<128xi32, #tpu.memory_space<hbm>>
        tpu.wait_dma2 semaphore(%arg12 : memref<!tpu.dma_semaphore, #tpu.memory_space<semaphore_mem>>) src(%dma_wait3A_71 : memref<128xi32, #tpu.memory_space<hbm>>) dst(%arg8 : memref<128xi32, #tpu.memory_space<vmem>>)
        %dma_wait3A_72 = arith.constant 0 : i32
        %dma_wait3A_73 = arith.constant 0 : i32
        %dma_wait3A_74 = tpu.memref_slice %arg2[%dma_wait3A_72, %dma_wait3A_73] : memref<320000x128xf32, #tpu.memory_space<hbm>> -> memref<128x128xf32, #tpu.memory_space<hbm>>
        %dma_wait3A_75 = arith.constant 0 : i32
        %dma_wait3A_76 = arith.constant 0 : i32
        %dma_wait3A_77 = tpu.memref_slice %arg2[%dma_wait3A_75, %dma_wait3A_76] : memref<320000x128xf32, #tpu.memory_space<hbm>> -> memref<128x128xf32, #tpu.memory_space<hbm>>
        tpu.wait_dma2 semaphore(%arg10 : memref<!tpu.dma_semaphore, #tpu.memory_space<semaphore_mem>>) src(%dma_wait3A_77 : memref<128x128xf32, #tpu.memory_space<hbm>>) dst(%arg6 : memref<128x128xf32, #tpu.memory_space<vmem>>)
        "tpu.region"() ({
          %run_scoped3A = tpu.sem_alloc : memref<!tpu.dma_semaphore, #tpu.memory_space<semaphore_mem>>
          %dma_start3A_85 = arith.constant 0 : i32
          %dma_start3A_86 = arith.constant 0 : i32
          %dma_start3A_87 = tpu.memref_slice %arg14[%dma_start3A_85, %dma_start3A_86] : memref<10240x128xf32, #tpu.memory_space<vmem_shared>> -> memref<10240x128xf32, #tpu.memory_space<vmem_shared>>
          tpu.enqueue_indirect_dma source(%arg6 : memref<128x128xf32, #tpu.memory_space<vmem>>) target(%dma_start3A_87 : memref<10240x128xf32, #tpu.memory_space<vmem_shared>>) offsets(%arg8 : memref<128xi32, #tpu.memory_space<vmem>>) semaphore(%run_scoped3A : memref<!tpu.dma_semaphore, #tpu.memory_space<semaphore_mem>>) {add = true}
          %dma_wait3A_88 = arith.constant 0 : i32
          %dma_wait3A_89 = arith.constant 0 : i32
          %dma_wait3A_90 = tpu.memref_slice %arg14[%dma_wait3A_88, %dma_wait3A_89] : memref<10240x128xf32, #tpu.memory_space<vmem_shared>> -> memref<10240x128xf32, #tpu.memory_space<vmem_shared>>
          tpu.wait_indirect_dma semaphore(%run_scoped3A : memref<!tpu.dma_semaphore, #tpu.memory_space<semaphore_mem>>) src(%arg6 : memref<128x128xf32, #tpu.memory_space<vmem>>) dst(%dma_wait3A_90 : memref<10240x128xf32, #tpu.memory_space<vmem_shared>>)
          tpu.yield
        }) : () -> ()
        %add3A_78 = arith.constant 64 : i32
        %add3A_79 = arith.addi %add3A_56, %add3A_78 : i32
        %lt3A_80 = arith.constant 2500 : i32
        %lt3A_81 = arith.cmpi slt, %add3A_79, %lt3A_80 : i32
        %convert_element_type3A_82 = arith.extui %lt3A_81 : i1 to i32
        %cond3A_83 = arith.constant 0 : i32
        %cond3A_84 = arith.cmpi ne, %convert_element_type3A_82, %cond3A_83 : i32
        scf.if %cond3A_84 {
          %mul3A_85 = arith.constant 128 : i32
          %mul3A_86 = arith.muli %add3A_79, %mul3A_85 : i32
          %dma_start3A_87 = tpu.memref_slice %arg3[%mul3A_86] : memref<320000xi32, #tpu.memory_space<hbm>> -> memref<128xi32, #tpu.memory_space<hbm>>
          %dma_start3A_88 = tpu.memref_slice %arg3[%mul3A_86] : memref<320000xi32, #tpu.memory_space<hbm>> -> memref<128xi32, #tpu.memory_space<hbm>>
          tpu.enqueue_dma source(%dma_start3A_88 : memref<128xi32, #tpu.memory_space<hbm>>) target(%arg8 : memref<128xi32, #tpu.memory_space<vmem>>) target_semaphore(%arg12 : memref<!tpu.dma_semaphore, #tpu.memory_space<semaphore_mem>>)
          %dma_start3A_89 = arith.constant 0 : i32
          %dma_start3A_90 = tpu.memref_slice %arg2[%mul3A_86, %dma_start3A_89] : memref<320000x128xf32, #tpu.memory_space<hbm>> -> memref<128x128xf32, #tpu.memory_space<hbm>>
          %dma_start3A_91 = arith.constant 0 : i32
          %dma_start3A_92 = tpu.memref_slice %arg2[%mul3A_86, %dma_start3A_91] : memref<320000x128xf32, #tpu.memory_space<hbm>> -> memref<128x128xf32, #tpu.memory_space<hbm>>
          tpu.enqueue_dma source(%dma_start3A_92 : memref<128x128xf32, #tpu.memory_space<hbm>>) target(%arg6 : memref<128x128xf32, #tpu.memory_space<vmem>>) target_semaphore(%arg10 : memref<!tpu.dma_semaphore, #tpu.memory_space<semaphore_mem>>)
        } else {
        }
      } else {
      }
      %add3A_59 = arith.constant 1 : i32
      %add3A_60 = arith.addi %add3A_51, %add3A_59 : i32
      %mul3A_61 = arith.constant 32 : i32
      %mul3A_62 = arith.muli %add3A_60, %mul3A_61 : i32
      %add3A_63 = arith.addi %add3A, %mul3A_62 : i32
      %lt3A_64 = arith.constant 2500 : i32
      %lt3A_65 = arith.cmpi slt, %add3A_63, %lt3A_64 : i32
      %convert_element_type3A_66 = arith.extui %lt3A_65 : i1 to i32
      %cond3A_67 = arith.constant 0 : i32
      %cond3A_68 = arith.cmpi ne, %convert_element_type3A_66, %cond3A_67 : i32
      scf.if %cond3A_68 {
        %dma_wait3A = arith.constant 0 : i32
        %dma_wait3A_69 = tpu.memref_slice %arg3[%dma_wait3A] : memref<320000xi32, #tpu.memory_space<hbm>> -> memref<128xi32, #tpu.memory_space<hbm>>
        %dma_wait3A_70 = arith.constant 0 : i32
        %dma_wait3A_71 = tpu.memref_slice %arg3[%dma_wait3A_70] : memref<320000xi32, #tpu.memory_space<hbm>> -> memref<128xi32, #tpu.memory_space<hbm>>
        tpu.wait_dma2 semaphore(%arg13 : memref<!tpu.dma_semaphore, #tpu.memory_space<semaphore_mem>>) src(%dma_wait3A_71 : memref<128xi32, #tpu.memory_space<hbm>>) dst(%arg9 : memref<128xi32, #tpu.memory_space<vmem>>)
        %dma_wait3A_72 = arith.constant 0 : i32
        %dma_wait3A_73 = arith.constant 0 : i32
        %dma_wait3A_74 = tpu.memref_slice %arg2[%dma_wait3A_72, %dma_wait3A_73] : memref<320000x128xf32, #tpu.memory_space<hbm>> -> memref<128x128xf32, #tpu.memory_space<hbm>>
        %dma_wait3A_75 = arith.constant 0 : i32
        %dma_wait3A_76 = arith.constant 0 : i32
        %dma_wait3A_77 = tpu.memref_slice %arg2[%dma_wait3A_75, %dma_wait3A_76] : memref<320000x128xf32, #tpu.memory_space<hbm>> -> memref<128x128xf32, #tpu.memory_space<hbm>>
        tpu.wait_dma2 semaphore(%arg11 : memref<!tpu.dma_semaphore, #tpu.memory_space<semaphore_mem>>) src(%dma_wait3A_77 : memref<128x128xf32, #tpu.memory_space<hbm>>) dst(%arg7 : memref<128x128xf32, #tpu.memory_space<vmem>>)
        "tpu.region"() ({
          %run_scoped3A = tpu.sem_alloc : memref<!tpu.dma_semaphore, #tpu.memory_space<semaphore_mem>>
          %dma_start3A_85 = arith.constant 0 : i32
          %dma_start3A_86 = arith.constant 0 : i32
          %dma_start3A_87 = tpu.memref_slice %arg14[%dma_start3A_85, %dma_start3A_86] : memref<10240x128xf32, #tpu.memory_space<vmem_shared>> -> memref<10240x128xf32, #tpu.memory_space<vmem_shared>>
          tpu.enqueue_indirect_dma source(%arg7 : memref<128x128xf32, #tpu.memory_space<vmem>>) target(%dma_start3A_87 : memref<10240x128xf32, #tpu.memory_space<vmem_shared>>) offsets(%arg9 : memref<128xi32, #tpu.memory_space<vmem>>) semaphore(%run_scoped3A : memref<!tpu.dma_semaphore, #tpu.memory_space<semaphore_mem>>) {add = true}
          %dma_wait3A_88 = arith.constant 0 : i32
          %dma_wait3A_89 = arith.constant 0 : i32
          %dma_wait3A_90 = tpu.memref_slice %arg14[%dma_wait3A_88, %dma_wait3A_89] : memref<10240x128xf32, #tpu.memory_space<vmem_shared>> -> memref<10240x128xf32, #tpu.memory_space<vmem_shared>>
          tpu.wait_indirect_dma semaphore(%run_scoped3A : memref<!tpu.dma_semaphore, #tpu.memory_space<semaphore_mem>>) src(%arg7 : memref<128x128xf32, #tpu.memory_space<vmem>>) dst(%dma_wait3A_90 : memref<10240x128xf32, #tpu.memory_space<vmem_shared>>)
          tpu.yield
        }) : () -> ()
        %add3A_78 = arith.constant 64 : i32
        %add3A_79 = arith.addi %add3A_63, %add3A_78 : i32
        %lt3A_80 = arith.constant 2500 : i32
        %lt3A_81 = arith.cmpi slt, %add3A_79, %lt3A_80 : i32
        %convert_element_type3A_82 = arith.extui %lt3A_81 : i1 to i32
        %cond3A_83 = arith.constant 0 : i32
        %cond3A_84 = arith.cmpi ne, %convert_element_type3A_82, %cond3A_83 : i32
        scf.if %cond3A_84 {
          %mul3A_85 = arith.constant 128 : i32
          %mul3A_86 = arith.muli %add3A_79, %mul3A_85 : i32
          %dma_start3A_87 = tpu.memref_slice %arg3[%mul3A_86] : memref<320000xi32, #tpu.memory_space<hbm>> -> memref<128xi32, #tpu.memory_space<hbm>>
          %dma_start3A_88 = tpu.memref_slice %arg3[%mul3A_86] : memref<320000xi32, #tpu.memory_space<hbm>> -> memref<128xi32, #tpu.memory_space<hbm>>
          tpu.enqueue_dma source(%dma_start3A_88 : memref<128xi32, #tpu.memory_space<hbm>>) target(%arg9 : memref<128xi32, #tpu.memory_space<vmem>>) target_semaphore(%arg13 : memref<!tpu.dma_semaphore, #tpu.memory_space<semaphore_mem>>)
          %dma_start3A_89 = arith.constant 0 : i32
          %dma_start3A_90 = tpu.memref_slice %arg2[%mul3A_86, %dma_start3A_89] : memref<320000x128xf32, #tpu.memory_space<hbm>> -> memref<128x128xf32, #tpu.memory_space<hbm>>
          %dma_start3A_91 = arith.constant 0 : i32
          %dma_start3A_92 = tpu.memref_slice %arg2[%mul3A_86, %dma_start3A_91] : memref<320000x128xf32, #tpu.memory_space<hbm>> -> memref<128x128xf32, #tpu.memory_space<hbm>>
          tpu.enqueue_dma source(%dma_start3A_92 : memref<128x128xf32, #tpu.memory_space<hbm>>) target(%arg7 : memref<128x128xf32, #tpu.memory_space<vmem>>) target_semaphore(%arg11 : memref<!tpu.dma_semaphore, #tpu.memory_space<semaphore_mem>>)
        } else {
        }
      } else {
      }
    }
    %scan3A_35 = arith.constant 40 : i32
    %barrier3A_36 = arith.constant 0 : index
    tpu.barrier barrier_id(%barrier3A_36)
    %add3A_37 = arith.constant 0 : i32
    %add3A_38 = arith.addi %mul3A_2, %add3A_37 : i32
    "tpu.region"() ({
      %run_scoped3A = tpu.sem_alloc : memref<!tpu.dma_semaphore, #tpu.memory_space<semaphore_mem>>
      %dma_start3A_47 = arith.constant 0 : i32
      %dma_start3A_48 = tpu.memref_slice %arg14[%add3A_38, %dma_start3A_47] : memref<10240x128xf32, #tpu.memory_space<vmem_shared>> -> memref<128x128xf32, #tpu.memory_space<vmem_shared>>
      %dma_start3A_49 = arith.constant 0 : i32
      %dma_start3A_50 = tpu.memref_slice %arg14[%add3A_38, %dma_start3A_49] : memref<10240x128xf32, #tpu.memory_space<vmem_shared>> -> memref<128x128xf32, #tpu.memory_space<vmem_shared>>
      tpu.enqueue_dma source(%dma_start3A_50 : memref<128x128xf32, #tpu.memory_space<vmem_shared>>) target(%arg6 : memref<128x128xf32, #tpu.memory_space<vmem>>) target_semaphore(%run_scoped3A : memref<!tpu.dma_semaphore, #tpu.memory_space<semaphore_mem>>)
      %dma_wait3A = arith.constant 0 : i32
      %dma_wait3A_51 = tpu.memref_slice %arg14[%add3A_38, %dma_wait3A] : memref<10240x128xf32, #tpu.memory_space<vmem_shared>> -> memref<128x128xf32, #tpu.memory_space<vmem_shared>>
      %dma_wait3A_52 = arith.constant 0 : i32
      %dma_wait3A_53 = tpu.memref_slice %arg14[%add3A_38, %dma_wait3A_52] : memref<10240x128xf32, #tpu.memory_space<vmem_shared>> -> memref<128x128xf32, #tpu.memory_space<vmem_shared>>
      tpu.wait_dma2 semaphore(%run_scoped3A : memref<!tpu.dma_semaphore, #tpu.memory_space<semaphore_mem>>) src(%dma_wait3A_53 : memref<128x128xf32, #tpu.memory_space<vmem_shared>>) dst(%arg6 : memref<128x128xf32, #tpu.memory_space<vmem>>)
      tpu.yield
    }) : () -> ()
    "tpu.region"() ({
      %run_scoped3A = tpu.sem_alloc : memref<!tpu.dma_semaphore, #tpu.memory_space<semaphore_mem>>
      %dma_start3A_47 = arith.constant 0 : i32
      %dma_start3A_48 = tpu.memref_slice %arg5[%arg0, %add3A_38, %dma_start3A_47] : memref<2x10240x128xf32, #tpu.memory_space<hbm>> -> memref<1x128x128xf32, #tpu.memory_space<hbm>>
      %dma_start3A_49 = tpu.memref_squeeze %dma_start3A_48 : memref<1x128x128xf32, #tpu.memory_space<hbm>> -> memref<128x128xf32, #tpu.memory_space<hbm>>
      %dma_start3A_50 = arith.constant 0 : i32
      %dma_start3A_51 = tpu.memref_slice %arg5[%arg0, %add3A_38, %dma_start3A_50] : memref<2x10240x128xf32, #tpu.memory_space<hbm>> -> memref<1x128x128xf32, #tpu.memory_space<hbm>>
      %dma_start3A_52 = tpu.memref_squeeze %dma_start3A_51 : memref<1x128x128xf32, #tpu.memory_space<hbm>> -> memref<128x128xf32, #tpu.memory_space<hbm>>
      tpu.enqueue_dma source(%arg6 : memref<128x128xf32, #tpu.memory_space<vmem>>) target(%dma_start3A_52 : memref<128x128xf32, #tpu.memory_space<hbm>>) target_semaphore(%run_scoped3A : memref<!tpu.dma_semaphore, #tpu.memory_space<semaphore_mem>>)
      %dma_wait3A = arith.constant 0 : i32
      %dma_wait3A_53 = tpu.memref_slice %arg5[%arg0, %add3A_38, %dma_wait3A] : memref<2x10240x128xf32, #tpu.memory_space<hbm>> -> memref<1x128x128xf32, #tpu.memory_space<hbm>>
      %dma_wait3A_54 = tpu.memref_squeeze %dma_wait3A_53 : memref<1x128x128xf32, #tpu.memory_space<hbm>> -> memref<128x128xf32, #tpu.memory_space<hbm>>
      %dma_wait3A_55 = arith.constant 0 : i32
      %dma_wait3A_56 = tpu.memref_slice %arg5[%arg0, %add3A_38, %dma_wait3A_55] : memref<2x10240x128xf32, #tpu.memory_space<hbm>> -> memref<1x128x128xf32, #tpu.memory_space<hbm>>
      %dma_wait3A_57 = tpu.memref_squeeze %dma_wait3A_56 : memref<1x128x128xf32, #tpu.memory_space<hbm>> -> memref<128x128xf32, #tpu.memory_space<hbm>>
      tpu.wait_dma2 semaphore(%run_scoped3A : memref<!tpu.dma_semaphore, #tpu.memory_space<semaphore_mem>>) src(%arg6 : memref<128x128xf32, #tpu.memory_space<vmem>>) dst(%dma_wait3A_57 : memref<128x128xf32, #tpu.memory_space<hbm>>)
      tpu.yield
    }) : () -> ()
    %add3A_39 = arith.constant 128 : i32
    %add3A_40 = arith.addi %mul3A_2, %add3A_39 : i32
    "tpu.region"() ({
      %run_scoped3A = tpu.sem_alloc : memref<!tpu.dma_semaphore, #tpu.memory_space<semaphore_mem>>
      %dma_start3A_47 = arith.constant 0 : i32
      %dma_start3A_48 = tpu.memref_slice %arg14[%add3A_40, %dma_start3A_47] : memref<10240x128xf32, #tpu.memory_space<vmem_shared>> -> memref<128x128xf32, #tpu.memory_space<vmem_shared>>
      %dma_start3A_49 = arith.constant 0 : i32
      %dma_start3A_50 = tpu.memref_slice %arg14[%add3A_40, %dma_start3A_49] : memref<10240x128xf32, #tpu.memory_space<vmem_shared>> -> memref<128x128xf32, #tpu.memory_space<vmem_shared>>
      tpu.enqueue_dma source(%dma_start3A_50 : memref<128x128xf32, #tpu.memory_space<vmem_shared>>) target(%arg6 : memref<128x128xf32, #tpu.memory_space<vmem>>) target_semaphore(%run_scoped3A : memref<!tpu.dma_semaphore, #tpu.memory_space<semaphore_mem>>)
      %dma_wait3A = arith.constant 0 : i32
      %dma_wait3A_51 = tpu.memref_slice %arg14[%add3A_40, %dma_wait3A] : memref<10240x128xf32, #tpu.memory_space<vmem_shared>> -> memref<128x128xf32, #tpu.memory_space<vmem_shared>>
      %dma_wait3A_52 = arith.constant 0 : i32
      %dma_wait3A_53 = tpu.memref_slice %arg14[%add3A_40, %dma_wait3A_52] : memref<10240x128xf32, #tpu.memory_space<vmem_shared>> -> memref<128x128xf32, #tpu.memory_space<vmem_shared>>
      tpu.wait_dma2 semaphore(%run_scoped3A : memref<!tpu.dma_semaphore, #tpu.memory_space<semaphore_mem>>) src(%dma_wait3A_53 : memref<128x128xf32, #tpu.memory_space<vmem_shared>>) dst(%arg6 : memref<128x128xf32, #tpu.memory_space<vmem>>)
      tpu.yield
    }) : () -> ()
    "tpu.region"() ({
      %run_scoped3A = tpu.sem_alloc : memref<!tpu.dma_semaphore, #tpu.memory_space<semaphore_mem>>
      %dma_start3A_47 = arith.constant 0 : i32
      %dma_start3A_48 = tpu.memref_slice %arg5[%arg0, %add3A_40, %dma_start3A_47] : memref<2x10240x128xf32, #tpu.memory_space<hbm>> -> memref<1x128x128xf32, #tpu.memory_space<hbm>>
      %dma_start3A_49 = tpu.memref_squeeze %dma_start3A_48 : memref<1x128x128xf32, #tpu.memory_space<hbm>> -> memref<128x128xf32, #tpu.memory_space<hbm>>
      %dma_start3A_50 = arith.constant 0 : i32
      %dma_start3A_51 = tpu.memref_slice %arg5[%arg0, %add3A_40, %dma_start3A_50] : memref<2x10240x128xf32, #tpu.memory_space<hbm>> -> memref<1x128x128xf32, #tpu.memory_space<hbm>>
      %dma_start3A_52 = tpu.memref_squeeze %dma_start3A_51 : memref<1x128x128xf32, #tpu.memory_space<hbm>> -> memref<128x128xf32, #tpu.memory_space<hbm>>
      tpu.enqueue_dma source(%arg6 : memref<128x128xf32, #tpu.memory_space<vmem>>) target(%dma_start3A_52 : memref<128x128xf32, #tpu.memory_space<hbm>>) target_semaphore(%run_scoped3A : memref<!tpu.dma_semaphore, #tpu.memory_space<semaphore_mem>>)
      %dma_wait3A = arith.constant 0 : i32
      %dma_wait3A_53 = tpu.memref_slice %arg5[%arg0, %add3A_40, %dma_wait3A] : memref<2x10240x128xf32, #tpu.memory_space<hbm>> -> memref<1x128x128xf32, #tpu.memory_space<hbm>>
      %dma_wait3A_54 = tpu.memref_squeeze %dma_wait3A_53 : memref<1x128x128xf32, #tpu.memory_space<hbm>> -> memref<128x128xf32, #tpu.memory_space<hbm>>
      %dma_wait3A_55 = arith.constant 0 : i32
      %dma_wait3A_56 = tpu.memref_slice %arg5[%arg0, %add3A_40, %dma_wait3A_55] : memref<2x10240x128xf32, #tpu.memory_space<hbm>> -> memref<1x128x128xf32, #tpu.memory_space<hbm>>
      %dma_wait3A_57 = tpu.memref_squeeze %dma_wait3A_56 : memref<1x128x128xf32, #tpu.memory_space<hbm>> -> memref<128x128xf32, #tpu.memory_space<hbm>>
      tpu.wait_dma2 semaphore(%run_scoped3A : memref<!tpu.dma_semaphore, #tpu.memory_space<semaphore_mem>>) src(%arg6 : memref<128x128xf32, #tpu.memory_space<vmem>>) dst(%dma_wait3A_57 : memref<128x128xf32, #tpu.memory_space<hbm>>)
      tpu.yield
    }) : () -> ()
    %add3A_41 = arith.constant 256 : i32
    %add3A_42 = arith.addi %mul3A_2, %add3A_41 : i32
    "tpu.region"() ({
      %run_scoped3A = tpu.sem_alloc : memref<!tpu.dma_semaphore, #tpu.memory_space<semaphore_mem>>
      %dma_start3A_47 = arith.constant 0 : i32
      %dma_start3A_48 = tpu.memref_slice %arg14[%add3A_42, %dma_start3A_47] : memref<10240x128xf32, #tpu.memory_space<vmem_shared>> -> memref<128x128xf32, #tpu.memory_space<vmem_shared>>
      %dma_start3A_49 = arith.constant 0 : i32
      %dma_start3A_50 = tpu.memref_slice %arg14[%add3A_42, %dma_start3A_49] : memref<10240x128xf32, #tpu.memory_space<vmem_shared>> -> memref<128x128xf32, #tpu.memory_space<vmem_shared>>
      tpu.enqueue_dma source(%dma_start3A_50 : memref<128x128xf32, #tpu.memory_space<vmem_shared>>) target(%arg6 : memref<128x128xf32, #tpu.memory_space<vmem>>) target_semaphore(%run_scoped3A : memref<!tpu.dma_semaphore, #tpu.memory_space<semaphore_mem>>)
      %dma_wait3A = arith.constant 0 : i32
      %dma_wait3A_51 = tpu.memref_slice %arg14[%add3A_42, %dma_wait3A] : memref<10240x128xf32, #tpu.memory_space<vmem_shared>> -> memref<128x128xf32, #tpu.memory_space<vmem_shared>>
      %dma_wait3A_52 = arith.constant 0 : i32
      %dma_wait3A_53 = tpu.memref_slice %arg14[%add3A_42, %dma_wait3A_52] : memref<10240x128xf32, #tpu.memory_space<vmem_shared>> -> memref<128x128xf32, #tpu.memory_space<vmem_shared>>
      tpu.wait_dma2 semaphore(%run_scoped3A : memref<!tpu.dma_semaphore, #tpu.memory_space<semaphore_mem>>) src(%dma_wait3A_53 : memref<128x128xf32, #tpu.memory_space<vmem_shared>>) dst(%arg6 : memref<128x128xf32, #tpu.memory_space<vmem>>)
      tpu.yield
    }) : () -> ()
    "tpu.region"() ({
      %run_scoped3A = tpu.sem_alloc : memref<!tpu.dma_semaphore, #tpu.memory_space<semaphore_mem>>
      %dma_start3A_47 = arith.constant 0 : i32
      %dma_start3A_48 = tpu.memref_slice %arg5[%arg0, %add3A_42, %dma_start3A_47] : memref<2x10240x128xf32, #tpu.memory_space<hbm>> -> memref<1x128x128xf32, #tpu.memory_space<hbm>>
      %dma_start3A_49 = tpu.memref_squeeze %dma_start3A_48 : memref<1x128x128xf32, #tpu.memory_space<hbm>> -> memref<128x128xf32, #tpu.memory_space<hbm>>
      %dma_start3A_50 = arith.constant 0 : i32
      %dma_start3A_51 = tpu.memref_slice %arg5[%arg0, %add3A_42, %dma_start3A_50] : memref<2x10240x128xf32, #tpu.memory_space<hbm>> -> memref<1x128x128xf32, #tpu.memory_space<hbm>>
      %dma_start3A_52 = tpu.memref_squeeze %dma_start3A_51 : memref<1x128x128xf32, #tpu.memory_space<hbm>> -> memref<128x128xf32, #tpu.memory_space<hbm>>
      tpu.enqueue_dma source(%arg6 : memref<128x128xf32, #tpu.memory_space<vmem>>) target(%dma_start3A_52 : memref<128x128xf32, #tpu.memory_space<hbm>>) target_semaphore(%run_scoped3A : memref<!tpu.dma_semaphore, #tpu.memory_space<semaphore_mem>>)
      %dma_wait3A = arith.constant 0 : i32
      %dma_wait3A_53 = tpu.memref_slice %arg5[%arg0, %add3A_42, %dma_wait3A] : memref<2x10240x128xf32, #tpu.memory_space<hbm>> -> memref<1x128x128xf32, #tpu.memory_space<hbm>>
      %dma_wait3A_54 = tpu.memref_squeeze %dma_wait3A_53 : memref<1x128x128xf32, #tpu.memory_space<hbm>> -> memref<128x128xf32, #tpu.memory_space<hbm>>
      %dma_wait3A_55 = arith.constant 0 : i32
      %dma_wait3A_56 = tpu.memref_slice %arg5[%arg0, %add3A_42, %dma_wait3A_55] : memref<2x10240x128xf32, #tpu.memory_space<hbm>> -> memref<1x128x128xf32, #tpu.memory_space<hbm>>
      %dma_wait3A_57 = tpu.memref_squeeze %dma_wait3A_56 : memref<1x128x128xf32, #tpu.memory_space<hbm>> -> memref<128x128xf32, #tpu.memory_space<hbm>>
      tpu.wait_dma2 semaphore(%run_scoped3A : memref<!tpu.dma_semaphore, #tpu.memory_space<semaphore_mem>>) src(%arg6 : memref<128x128xf32, #tpu.memory_space<vmem>>) dst(%dma_wait3A_57 : memref<128x128xf32, #tpu.memory_space<hbm>>)
      tpu.yield
    }) : () -> ()
    %add3A_43 = arith.constant 384 : i32
    %add3A_44 = arith.addi %mul3A_2, %add3A_43 : i32
    "tpu.region"() ({
      %run_scoped3A = tpu.sem_alloc : memref<!tpu.dma_semaphore, #tpu.memory_space<semaphore_mem>>
      %dma_start3A_47 = arith.constant 0 : i32
      %dma_start3A_48 = tpu.memref_slice %arg14[%add3A_44, %dma_start3A_47] : memref<10240x128xf32, #tpu.memory_space<vmem_shared>> -> memref<128x128xf32, #tpu.memory_space<vmem_shared>>
      %dma_start3A_49 = arith.constant 0 : i32
      %dma_start3A_50 = tpu.memref_slice %arg14[%add3A_44, %dma_start3A_49] : memref<10240x128xf32, #tpu.memory_space<vmem_shared>> -> memref<128x128xf32, #tpu.memory_space<vmem_shared>>
      tpu.enqueue_dma source(%dma_start3A_50 : memref<128x128xf32, #tpu.memory_space<vmem_shared>>) target(%arg6 : memref<128x128xf32, #tpu.memory_space<vmem>>) target_semaphore(%run_scoped3A : memref<!tpu.dma_semaphore, #tpu.memory_space<semaphore_mem>>)
      %dma_wait3A = arith.constant 0 : i32
      %dma_wait3A_51 = tpu.memref_slice %arg14[%add3A_44, %dma_wait3A] : memref<10240x128xf32, #tpu.memory_space<vmem_shared>> -> memref<128x128xf32, #tpu.memory_space<vmem_shared>>
      %dma_wait3A_52 = arith.constant 0 : i32
      %dma_wait3A_53 = tpu.memref_slice %arg14[%add3A_44, %dma_wait3A_52] : memref<10240x128xf32, #tpu.memory_space<vmem_shared>> -> memref<128x128xf32, #tpu.memory_space<vmem_shared>>
      tpu.wait_dma2 semaphore(%run_scoped3A : memref<!tpu.dma_semaphore, #tpu.memory_space<semaphore_mem>>) src(%dma_wait3A_53 : memref<128x128xf32, #tpu.memory_space<vmem_shared>>) dst(%arg6 : memref<128x128xf32, #tpu.memory_space<vmem>>)
      tpu.yield
    }) : () -> ()
    "tpu.region"() ({
      %run_scoped3A = tpu.sem_alloc : memref<!tpu.dma_semaphore, #tpu.memory_space<semaphore_mem>>
      %dma_start3A_47 = arith.constant 0 : i32
      %dma_start3A_48 = tpu.memref_slice %arg5[%arg0, %add3A_44, %dma_start3A_47] : memref<2x10240x128xf32, #tpu.memory_space<hbm>> -> memref<1x128x128xf32, #tpu.memory_space<hbm>>
      %dma_start3A_49 = tpu.memref_squeeze %dma_start3A_48 : memref<1x128x128xf32, #tpu.memory_space<hbm>> -> memref<128x128xf32, #tpu.memory_space<hbm>>
      %dma_start3A_50 = arith.constant 0 : i32
      %dma_start3A_51 = tpu.memref_slice %arg5[%arg0, %add3A_44, %dma_start3A_50] : memref<2x10240x128xf32, #tpu.memory_space<hbm>> -> memref<1x128x128xf32, #tpu.memory_space<hbm>>
      %dma_start3A_52 = tpu.memref_squeeze %dma_start3A_51 : memref<1x128x128xf32, #tpu.memory_space<hbm>> -> memref<128x128xf32, #tpu.memory_space<hbm>>
      tpu.enqueue_dma source(%arg6 : memref<128x128xf32, #tpu.memory_space<vmem>>) target(%dma_start3A_52 : memref<128x128xf32, #tpu.memory_space<hbm>>) target_semaphore(%run_scoped3A : memref<!tpu.dma_semaphore, #tpu.memory_space<semaphore_mem>>)
      %dma_wait3A = arith.constant 0 : i32
      %dma_wait3A_53 = tpu.memref_slice %arg5[%arg0, %add3A_44, %dma_wait3A] : memref<2x10240x128xf32, #tpu.memory_space<hbm>> -> memref<1x128x128xf32, #tpu.memory_space<hbm>>
      %dma_wait3A_54 = tpu.memref_squeeze %dma_wait3A_53 : memref<1x128x128xf32, #tpu.memory_space<hbm>> -> memref<128x128xf32, #tpu.memory_space<hbm>>
      %dma_wait3A_55 = arith.constant 0 : i32
      %dma_wait3A_56 = tpu.memref_slice %arg5[%arg0, %add3A_44, %dma_wait3A_55] : memref<2x10240x128xf32, #tpu.memory_space<hbm>> -> memref<1x128x128xf32, #tpu.memory_space<hbm>>
      %dma_wait3A_57 = tpu.memref_squeeze %dma_wait3A_56 : memref<1x128x128xf32, #tpu.memory_space<hbm>> -> memref<128x128xf32, #tpu.memory_space<hbm>>
      tpu.wait_dma2 semaphore(%run_scoped3A : memref<!tpu.dma_semaphore, #tpu.memory_space<semaphore_mem>>) src(%arg6 : memref<128x128xf32, #tpu.memory_space<vmem>>) dst(%dma_wait3A_57 : memref<128x128xf32, #tpu.memory_space<hbm>>)
      tpu.yield
    }) : () -> ()
    %add3A_45 = arith.constant 512 : i32
    %add3A_46 = arith.addi %mul3A_2, %add3A_45 : i32
    "tpu.region"() ({
      %run_scoped3A = tpu.sem_alloc : memref<!tpu.dma_semaphore, #tpu.memory_space<semaphore_mem>>
      %dma_start3A_47 = arith.constant 0 : i32
      %dma_start3A_48 = tpu.memref_slice %arg14[%add3A_46, %dma_start3A_47] : memref<10240x128xf32, #tpu.memory_space<vmem_shared>> -> memref<128x128xf32, #tpu.memory_space<vmem_shared>>
      %dma_start3A_49 = arith.constant 0 : i32
      %dma_start3A_50 = tpu.memref_slice %arg14[%add3A_46, %dma_start3A_49] : memref<10240x128xf32, #tpu.memory_space<vmem_shared>> -> memref<128x128xf32, #tpu.memory_space<vmem_shared>>
      tpu.enqueue_dma source(%dma_start3A_50 : memref<128x128xf32, #tpu.memory_space<vmem_shared>>) target(%arg6 : memref<128x128xf32, #tpu.memory_space<vmem>>) target_semaphore(%run_scoped3A : memref<!tpu.dma_semaphore, #tpu.memory_space<semaphore_mem>>)
      %dma_wait3A = arith.constant 0 : i32
      %dma_wait3A_51 = tpu.memref_slice %arg14[%add3A_46, %dma_wait3A] : memref<10240x128xf32, #tpu.memory_space<vmem_shared>> -> memref<128x128xf32, #tpu.memory_space<vmem_shared>>
      %dma_wait3A_52 = arith.constant 0 : i32
      %dma_wait3A_53 = tpu.memref_slice %arg14[%add3A_46, %dma_wait3A_52] : memref<10240x128xf32, #tpu.memory_space<vmem_shared>> -> memref<128x128xf32, #tpu.memory_space<vmem_shared>>
      tpu.wait_dma2 semaphore(%run_scoped3A : memref<!tpu.dma_semaphore, #tpu.memory_space<semaphore_mem>>) src(%dma_wait3A_53 : memref<128x128xf32, #tpu.memory_space<vmem_shared>>) dst(%arg6 : memref<128x128xf32, #tpu.memory_space<vmem>>)
      tpu.yield
    }) : () -> ()
    "tpu.region"() ({
      %run_scoped3A = tpu.sem_alloc : memref<!tpu.dma_semaphore, #tpu.memory_space<semaphore_mem>>
      %dma_start3A_47 = arith.constant 0 : i32
      %dma_start3A_48 = tpu.memref_slice %arg5[%arg0, %add3A_46, %dma_start3A_47] : memref<2x10240x128xf32, #tpu.memory_space<hbm>> -> memref<1x128x128xf32, #tpu.memory_space<hbm>>
      %dma_start3A_49 = tpu.memref_squeeze %dma_start3A_48 : memref<1x128x128xf32, #tpu.memory_space<hbm>> -> memref<128x128xf32, #tpu.memory_space<hbm>>
      %dma_start3A_50 = arith.constant 0 : i32
      %dma_start3A_51 = tpu.memref_slice %arg5[%arg0, %add3A_46, %dma_start3A_50] : memref<2x10240x128xf32, #tpu.memory_space<hbm>> -> memref<1x128x128xf32, #tpu.memory_space<hbm>>
      %dma_start3A_52 = tpu.memref_squeeze %dma_start3A_51 : memref<1x128x128xf32, #tpu.memory_space<hbm>> -> memref<128x128xf32, #tpu.memory_space<hbm>>
      tpu.enqueue_dma source(%arg6 : memref<128x128xf32, #tpu.memory_space<vmem>>) target(%dma_start3A_52 : memref<128x128xf32, #tpu.memory_space<hbm>>) target_semaphore(%run_scoped3A : memref<!tpu.dma_semaphore, #tpu.memory_space<semaphore_mem>>)
      %dma_wait3A = arith.constant 0 : i32
      %dma_wait3A_53 = tpu.memref_slice %arg5[%arg0, %add3A_46, %dma_wait3A] : memref<2x10240x128xf32, #tpu.memory_space<hbm>> -> memref<1x128x128xf32, #tpu.memory_space<hbm>>
      %dma_wait3A_54 = tpu.memref_squeeze %dma_wait3A_53 : memref<1x128x128xf32, #tpu.memory_space<hbm>> -> memref<128x128xf32, #tpu.memory_space<hbm>>
      %dma_wait3A_55 = arith.constant 0 : i32
      %dma_wait3A_56 = tpu.memref_slice %arg5[%arg0, %add3A_46, %dma_wait3A_55] : memref<2x10240x128xf32, #tpu.memory_space<hbm>> -> memref<1x128x128xf32, #tpu.memory_space<hbm>>
      %dma_wait3A_57 = tpu.memref_squeeze %dma_wait3A_56 : memref<1x128x128xf32, #tpu.memory_space<hbm>> -> memref<128x128xf32, #tpu.memory_space<hbm>>
      tpu.wait_dma2 semaphore(%run_scoped3A : memref<!tpu.dma_semaphore, #tpu.memory_space<semaphore_mem>>) src(%arg6 : memref<128x128xf32, #tpu.memory_space<vmem>>) dst(%dma_wait3A_57 : memref<128x128xf32, #tpu.memory_space<hbm>>)
      tpu.yield
    }) : () -> ()
    return
  }
}

module attributes {stable_mosaic.version = 14 : i64} {
  func.func @_stage1_body(%arg0: i32, %arg1: memref<2560x128xf32, #tpu.memory_space<vmem>>, %arg2: memref<2560x128xf32, #tpu.memory_space<vmem>>, %arg3: memref<2560x128xf32, #tpu.memory_space<vmem>>) attributes {dimension_semantics = [#tpu.dimension_semantics<arbitrary>], iteration_bounds = array<i64: 125>, scalar_prefetch = 0 : i64, scratch_operands = 0 : i64, tpu.core_type = #tpu.core_type<tc>, window_params = [{transform_indices = @transform_0, window_bounds = array<i64: 2560, 128>}, {transform_indices = @transform_1, window_bounds = array<i64: 2560, 128>}, {transform_indices = @transform_2, window_bounds = array<i64: 2560, 128>}]} {
    %get3A = arith.constant 0 : index
    %get3A_0 = arith.constant 0 : index
    %get3A_1 = vector.load %arg2[%get3A, %get3A_0] : memref<2560x128xf32, #tpu.memory_space<vmem>>, vector<2560x128xf32>
    %get3A_2 = arith.constant 0 : index
    %get3A_3 = arith.constant 0 : index
    %get3A_4 = vector.load %arg1[%get3A_2, %get3A_3] : memref<2560x128xf32, #tpu.memory_space<vmem>>, vector<2560x128xf32>
    %mul3A = arith.mulf %get3A_1, %get3A_4 : vector<2560x128xf32>
    %swap3A = arith.constant 0 : index
    %swap3A_5 = arith.constant 0 : index
    %swap3A_6 = vector.load %arg3[%swap3A, %swap3A_5] : memref<2560x128xf32, #tpu.memory_space<vmem>>, vector<2560x128xf32>
    tpu.vector_store %arg3[%swap3A, %swap3A_5], %mul3A {strides = array<i32>} : memref<2560x128xf32, #tpu.memory_space<vmem>>, vector<2560x128xf32>,
    return
  }
  func.func @transform_0(%arg0: i32) -> (i32, i32) {
    %c0_i32 = arith.constant 0 : i32
    %c0_i32_0 = arith.constant 0 : i32
    return %arg0, %c0_i32 : i32, i32
  }
  func.func @transform_1(%arg0: i32) -> (i32, i32) {
    %c0_i32 = arith.constant 0 : i32
    %c0_i32_0 = arith.constant 0 : i32
    return %arg0, %c0_i32 : i32, i32
  }
  func.func @transform_2(%arg0: i32) -> (i32, i32) {
    %c0_i32 = arith.constant 0 : i32
    %c0_i32_0 = arith.constant 0 : i32
    return %arg0, %c0_i32 : i32, i32
  }
}

module attributes {stable_mosaic.version = 14 : i64} {
  func.func @_stage4_body(%arg0: i32, %arg1: memref<2x2000x128xf32, #tpu.memory_space<vmem>>, %arg2: memref<2x2000x128xf32, #tpu.memory_space<vmem>>, %arg3: memref<2000x128xf32, #tpu.memory_space<vmem>>) attributes {dimension_semantics = [#tpu.dimension_semantics<arbitrary>], iteration_bounds = array<i64: 5>, scalar_prefetch = 0 : i64, scratch_operands = 0 : i64, tpu.core_type = #tpu.core_type<tc>, window_params = [{transform_indices = @transform_0, window_bounds = array<i64: 2, 2000, 128>}, {transform_indices = @transform_1, window_bounds = array<i64: 2, 2000, 128>}, {transform_indices = @transform_2, window_bounds = array<i64: 2000, 128>}]} {
    %get3A = arith.constant 0 : index
    %get3A_0 = arith.constant 0 : index
    %get3A_1 = arith.constant 0 : index
    %get3A_2 = vector.load %arg1[%get3A, %get3A_0, %get3A_1] : memref<2x2000x128xf32, #tpu.memory_space<vmem>>, vector<1x2000x128xf32>
    %get3A_3 = vector.shape_cast %get3A_2 : vector<1x2000x128xf32> to vector<2000x128xf32>
    %get3A_4 = arith.constant 1 : index
    %get3A_5 = arith.constant 0 : index
    %get3A_6 = arith.constant 0 : index
    %get3A_7 = vector.load %arg1[%get3A_4, %get3A_5, %get3A_6] : memref<2x2000x128xf32, #tpu.memory_space<vmem>>, vector<1x2000x128xf32>
    %get3A_8 = vector.shape_cast %get3A_7 : vector<1x2000x128xf32> to vector<2000x128xf32>
    %add3A = arith.addf %get3A_3, %get3A_8 : vector<2000x128xf32>
    %get3A_9 = arith.constant 0 : index
    %get3A_10 = arith.constant 0 : index
    %get3A_11 = arith.constant 0 : index
    %get3A_12 = vector.load %arg2[%get3A_9, %get3A_10, %get3A_11] : memref<2x2000x128xf32, #tpu.memory_space<vmem>>, vector<1x2000x128xf32>
    %get3A_13 = vector.shape_cast %get3A_12 : vector<1x2000x128xf32> to vector<2000x128xf32>
    %get3A_14 = arith.constant 1 : index
    %get3A_15 = arith.constant 0 : index
    %get3A_16 = arith.constant 0 : index
    %get3A_17 = vector.load %arg2[%get3A_14, %get3A_15, %get3A_16] : memref<2x2000x128xf32, #tpu.memory_space<vmem>>, vector<1x2000x128xf32>
    %get3A_18 = vector.shape_cast %get3A_17 : vector<1x2000x128xf32> to vector<2000x128xf32>
    %add3A_19 = arith.addf %get3A_13, %get3A_18 : vector<2000x128xf32>
    %add3A_20 = arith.constant 1.000000e-16 : f32
    %add3A_21 = vector.broadcast %add3A_20 : f32 to vector<2000x128xf32>
    %add3A_22 = arith.addf %add3A_19, %add3A_21 : vector<2000x128xf32>
    %div3A = arith.divf %add3A, %add3A_22 : vector<2000x128xf32>
    %swap3A = arith.constant 0 : index
    %swap3A_23 = arith.constant 0 : index
    %swap3A_24 = vector.load %arg3[%swap3A, %swap3A_23] : memref<2000x128xf32, #tpu.memory_space<vmem>>, vector<2000x128xf32>
    tpu.vector_store %arg3[%swap3A, %swap3A_23], %div3A {strides = array<i32>} : memref<2000x128xf32, #tpu.memory_space<vmem>>, vector<2000x128xf32>,
    return
  }
  func.func @transform_0(%arg0: i32) -> (i32, i32, i32) {
    %c0_i32 = arith.constant 0 : i32
    %c0_i32_0 = arith.constant 0 : i32
    %c0_i32_1 = arith.constant 0 : i32
    return %c0_i32, %arg0, %c0_i32_0 : i32, i32, i32
  }
  func.func @transform_1(%arg0: i32) -> (i32, i32, i32) {
    %c0_i32 = arith.constant 0 : i32
    %c0_i32_0 = arith.constant 0 : i32
    %c0_i32_1 = arith.constant 0 : i32
    return %c0_i32, %arg0, %c0_i32_0 : i32, i32, i32
  }
  func.func @transform_2(%arg0: i32) -> (i32, i32) {
    %c0_i32 = arith.constant 0 : i32
    %c0_i32_0 = arith.constant 0 : i32
    return %arg0, %c0_i32 : i32, i32
  }
}

</mosaic_0001>

<sc_bundles>
// kernel: kernel.6.cloned.1.call-start
scs
__scs_entry_jumppad:
0x0: {  	(pc) =	sbr.rel $0x88, $3  }
0x1: {  	(tag) =	ssettag $0x0;
	lr =	simm.s32 $0x1  }
0x2: {  	[smem:$0x3F9D] =	sst lr;
	_ =	strace $0xD0000000  }
0x3: {  	_ = 	snop  }
0x4: {  	_ = 	snop  }
0x5: {  	_ = 	snop  }
0x6: {  	_ = 	snop  }
0x7: {  	_ = 	snop  }
__scs_overlays_trampoline_lowered:
0x8: {  	[smem:$0x3FAC] =	sst s0  }
0x9: {  	[smem:$0x3FAD] =	sst s1  }
0xa: {  	[smem:$0x3FAE] =	sst s2  }
0xb: {  	[smem:$0x3FAF] =	sst s3  }
0xc: {  	[smem:$0x3FB0] =	sst s4  }
0xd: {  	[smem:$0x3FB1] =	sst s5  }
0xe: {  	[smem:$0x3FB2] =	sst s6  }
0xf: {  	[smem:$0x3FB3] =	sst s7  }
0x10: {  	[smem:$0x3FB4] =	sst s8  }
0x11: {  	[smem:$0x3FB5] =	sst s9;
	s0 =	simm.s32 @!p0 $0x0  }
0x12: {  	s1 =	sld [smem:$0x3F9B];
	s0 =	simm.s32 @p0 $0x1  }
0x13: {  	[smem:$0x3FB6] =	sst s0;
	s0 =	simm.s32 @!p1 $0x0  }
0x14: {  	s2 =	sld [smem:$0x3F9A];
	s0 =	simm.s32 @p1 $0x1  }
0x15: {  	[smem:$0x3FB7] =	sst s0;
	s0 =	simm.s32 @!p2 $0x0  }
0x16: {  	s3 =	sld [smem:$0x3FDB];
	s0 =	simm.s32 @p2 $0x1  }
0x17: {  	s4 =	simm.s32 $0x1BF5;
	[smem:$0x3FB9] =	sst s0  }
0x18: {  	s0 =	sld [smem:$0x3F9C];
	_ =	swait.ge [sflag:s4], $0x0  }
0x19: {  	s7 =	sld [smem:$0x3F9D]  }
0x1a: {  	s8 =	sadd.s32 $0xFFFFE003, lr  }
0x1b: {  	s9 =	sadd.s32 $0xFFFFFEF7, lr;
	s5 =	simm.s32 $0xFFFFFFFF;
	p2 =	slt.u32 s8, $0xFFFFF086  }
0x1c: {  	p1 =	slt.u32 s9, $0xF7A;
	s5 =	simm.s32 @!p2 $0x0  }
0x1d: {  	s5 =	simm.s32 @p1 $0x1;
	p0 =	seq.s32 s7, s2  }
0x1e: {  	s7 =	smul.u32 @!p0 $0xF7A, s2;
	p2 =	seq.s32 @!p0 s5, $0x0  }
0x1f: {  	s9 =	smul.u32 $0xF7A, s1;
	s8 =	simm.s32 @!p0 $0x1BF5;
	p2 =	por !p2, p0  }
0x20: {  	[sflag:s8] =	ssyncset.s32 @!p0 $0xFFFFF086;
	s6 =	sadd.s32 @!p0 s3, s7;
	s7 =	simm.s32 @!p0 $0x108  }
0x21: {  	s3 =	sadd.s32 s3, s9;
	s6 =	sadd.s32 @!p0 $0x88, s6;
	s7 =	simm.s32 @p2 $0x1082  }
0x22: {  	[simem:s7], [sflag:s8] =	dma.local @!p0 [hbm:s6], $0xF7A  }
0x23: {  	s9 =	sor.u32 $0xD0000000, s2;
	s6 =	simm.s32 $0x108;
	_ =	swait.ge @!p0 [sflag:s8], $0x0  }
0x24: {  	s3 =	sadd.s32 $0x88, s3;
	s6 =	simm.s32 @!p1 $0x1082;
	[sflag:s4] =	ssyncset.s32 $0xFFFFF086  }
0x25: {  	[simem:s6], [sflag:s4] =	dma.local [hbm:s3], $0xF7A  }
0x26: {  	[smem:$0x3F9D] =	sst s1;
	(tag) =	ssettag s2;
	_ =	strace s9  }
0x27: {  	s1 =	sld [smem:$0x3FAD]  }
0x28: {  	s2 =	sld [smem:$0x3FAE]  }
0x29: {  	s4 =	sld [smem:$0x3FB0]  }
0x2a: {  	p0 =	seq.s32 s5, $0x0;
	s5 =	sld [smem:$0x3FB1]  }
0x2b: {  	s6 =	sld [smem:$0x3FB2]  }
0x2c: {  	s7 =	sld [smem:$0x3FB3]  }
0x2d: {  	s3 =	simm.s32 $0x108;
	s8 =	sld [smem:$0x3FB4]  }
0x2e: {  	s3 =	simm.s32 @!p0 $0x1082;
	s9 =	sld [smem:$0x3FB5]  }
0x2f: {  	lr =	sadd.s32 s0, s3;
	s0 =	sld [smem:$0x3FAC]  }
0x30: {  	s3 =	sld [smem:$0x3FAF]  }
0x31: {  	[smem:$0x3FB8] =	sst s10  }
0x32: {  	s10 =	sld [smem:$0x3FB6];
	_ =	sdelay $0x3  }
0x33: {  	p0 =	seq.s32 s10, $0x1;
	s10 =	sld [smem:$0x3FB8];
	_ =	sdelay $0x3  }
0x34: {  	[smem:$0x3FB8] =	sst s10  }
0x35: {  	s10 =	sld [smem:$0x3FB7];
	_ =	sdelay $0x3  }
0x36: {  	p1 =	seq.s32 s10, $0x1;
	s10 =	sld [smem:$0x3FB8];
	_ =	sdelay $0x3  }
0x37: {  	[smem:$0x3FB8] =	sst s10  }
0x38: {  	s10 =	sld [smem:$0x3FB9]  }
0x39: {  	_ = 	snop;
	(pc) =	sbr.ind lr, $3  }
0x3a: {  	_ = 	snop  }
0x3b: {  	_ = 	snop  }
0x3c: {  	p2 =	seq.s32 s10, $0x1;
	s10 =	sld [smem:$0x3FB8]  }
0x3d: {  	_ =	shalt  }
0x3e: {  	_ =	shalt  }
0x3f: {  	_ =	shalt  }
0x40: {  	_ =	shalt  }
0x41: {  	_ =	shalt  }
0x42: {  	_ =	shalt  }
0x43: {  	_ =	shalt  }
0x44: {  	_ =	shalt  }
0x45: {  	_ =	shalt  }
0x46: {  	_ =	shalt  }
0x47: {  	_ =	shalt  }
0x48: {  	_ =	shalt  }
0x49: {  	_ =	shalt  }
0x4a: {  	_ =	shalt  }
0x4b: {  	_ =	shalt  }
0x4c: {  	_ =	shalt  }
0x4d: {  	_ =	shalt  }
0x4e: {  	_ =	shalt  }
0x4f: {  	_ =	shalt  }
0x50: {  	_ =	shalt  }
0x51: {  	_ =	shalt  }
0x52: {  	_ =	shalt  }
0x53: {  	_ =	shalt  }
0x54: {  	_ =	shalt  }
0x55: {  	_ =	shalt  }
0x56: {  	_ =	shalt  }
0x57: {  	_ =	shalt  }
0x58: {  	_ =	shalt  }
0x59: {  	_ =	shalt  }
0x5a: {  	_ =	shalt  }
0x5b: {  	_ =	shalt  }
0x5c: {  	_ =	shalt  }
0x5d: {  	_ =	shalt  }
0x5e: {  	_ =	shalt  }
0x5f: {  	_ =	shalt  }
0x60: {  	_ =	shalt  }
0x61: {  	_ =	shalt  }
0x62: {  	_ =	shalt  }
0x63: {  	_ =	shalt  }
0x64: {  	_ =	shalt  }
0x65: {  	_ =	shalt  }
0x66: {  	_ =	shalt  }
0x67: {  	_ =	shalt  }
0x68: {  	_ =	shalt  }
0x69: {  	_ =	shalt  }
0x6a: {  	_ =	shalt  }
0x6b: {  	_ =	shalt  }
0x6c: {  	_ =	shalt  }
0x6d: {  	_ =	shalt  }
0x6e: {  	_ =	shalt  }
0x6f: {  	_ =	shalt  }
0x70: {  	_ =	shalt  }
0x71: {  	_ =	shalt  }
0x72: {  	_ =	shalt  }
0x73: {  	_ =	shalt  }
0x74: {  	_ =	shalt  }
0x75: {  	_ =	shalt  }
0x76: {  	_ =	shalt  }
0x77: {  	_ =	shalt  }
0x78: {  	_ =	shalt  }
0x79: {  	_ =	shalt  }
0x7a: {  	_ =	shalt  }
0x7b: {  	_ =	shalt  }
0x7c: {  	_ =	shalt  }
0x7d: {  	_ =	shalt  }
0x7e: {  	_ =	shalt  }
0x7f: {  	_ =	shalt  }
0x80: {  	_ =	shalt  }
0x81: {  	_ =	shalt  }
0x82: {  	_ =	shalt  }
0x83: {  	_ =	shalt  }
0x84: {  	_ =	shalt  }
0x85: {  	_ =	shalt  }
0x86: {  	_ =	shalt  }
0x87: {  	_ =	shalt  }
.Lfunc_end0:
.L_simem_size_0:
called_computation_lowered:
.L_overlay_start_0:
0x88: {  	s2 =	sld [smem:$0x3FD9]  }
0x89: {  	s3 =	sld [smem:$0x3FFE];
	_ =	sdelay $0x1  }
0x8a: {  	s1 =	srdreg.scid  }
0x8b: {  	s0 =	sand.u32 $0x1, s1  }
0x8c: {  	s17 =	sshll.u32 s0, $0xA;
	s2 =	sadd.s32 s3, s2  }
0x8d: {  	s2 =	sadd.s32 s2, s17  }
0x8e: {  	[smem:$0x3FC4] =	sst s2  }
0x8f: {  	_ = 	snop  }
0x90: {  	s18 =	sld [smem:$0x3FD0];
	(tm) =	ssettm $0x1  }
0x91: {  	s19 =	sld [smem:$0x3FFB];
	_ =	sdelay $0x3  }
0x92: {  	_ =	strace s19  }
0x93: {  	s2 =	sld [smem:$0x3FFC];
	_ =	sdelay $0x3  }
0x94: {  	_ =	strace s2  }
0x95: {  	s2 =	sld [smem:$0x3FFD];
	_ =	sdelay $0x3  }
0x96: {  	_ =	strace s2  }
0x97: {  	_ =	strace $0x8FFFFFFF  }
0x98: {  	s20 =	sld [smem:$0x3FDB];
	_ =	sdelay $0x1  }
0x99: {  	s4 =	simm.s32 $_scs_section_size  }
0x9a: {  	s5 =	simm.s32 $_size__tile_overlayer_lowered;
	s6 =	simm.s32 $_tile_overlayer_lowered  }
0x9b: {  	s7 =	simm.s32 $0x1BFF;
	s21 =	sshll.u32 s6, $0x1;
	s4 =	sadd.s32 s4, s20  }
0x9c: {  	s22 =	simm.s32 $0x0;
	s5 =	sshll.u32 s5, $0x1;
	s6 =	sadd.s32 s21, s4  }
0x9d: {  	[timem:s22], [sflag:s7] =	dma.local [hbm:s6], s5  }
0x9e: {  	_ =	swait.ge [sflag:s7], s5  }
0x9f: {  	s5 =	ssub.s32 $0x0, s5;
	[sflag:s7] =	ssyncset.done $0x0  }
0xa0: {  	[sflag:s7] =	ssyncadd.s32 s5;
	_ =	sdelay $0x1  }
0xa1: {  	s23 =	simm.s32 $0x1B8B  }
0xa2: {  	_ =	swait.ge [sflag:s23], $0x1  }
0xa3: {  	[sflag:s23] =	ssyncset.done $0x0  }
0xa4: {  	[sflag:s23] =	ssyncadd.s32 $0xFFFFFFFF  }
0xa5: {  	s5 =	sld [smem:$0x0]  }
0xa6: {  	s6 =	sand.u32 $0xFFFFFFFE, s1  }
0xa7: {  	p0 =	sne.s32 s1, s6  }
0xa8: {  	s6 =	sshll.u32 @p0 s6, $0xE  }
0xa9: {  	s6 =	sadd.s32 @p0 $0x11B8D, s6;
	s7 =	sshll.u32 @p0 s5, $0x11  }
0xaa: {  	s6 =	sor.u32 @p0 s7, s6  }
0xab: {  	[sflag:s6] =	ssyncadd.remote.s32 @p0 $0x1;
	_ =	sdelay $0x1  }
0xac: {  	s6 =	simm.s32 @p0 $0x1B8D  }
0xad: {  	_ =	swait.eq @p0 [sflag:s6], $0x1  }
0xae: {  	[sflag:s6] =	ssyncadd.s32 @p0 $0xFFFFFFFF  }
0xaf: {  	s7 =	sshll.u32 @!p0 s1, $0xE  }
0xb0: {  	s7 =	sor.u32 @!p0 $0x4000, s7;
	s6 =	simm.s32 @!p0 $0x1B8D  }
0xb1: {  	s5 =	sshll.u32 @!p0 s5, $0x11;
	s7 =	sadd.s32 @!p0 $0x11B8D, s7;
	_ =	swait.eq @!p0 [sflag:s6], $0x1  }
0xb2: {  	s5 =	sor.u32 @!p0 s5, s7;
	[sflag:s6] =	ssyncadd.s32 @!p0 $0xFFFFFFFF  }
0xb3: {  	s25 =	simm.s32 $0x1B8E;
	s24 =	sld [smem:$0x3FFE];
	[sflag:s5] =	ssyncadd.remote.s32 @!p0 $0x1  }
0xb4: {  	s26 =	simm.s32 $execute0_lowered;
	[smem:$0x3FD2] =	sst s25  }
0xb5: {  	s6 =	sshll.u32 s26, $0x1;
	_ =	strace $0x80000049;
	[dreg:$0x1] =	wrdreg $0xFFFFFFFF  }
0xb6: {  	s28 =	simm.s32 $_size_execute0_lowered;
	s4 =	sadd.s32 s4, s6;
	[dreg:$0x0] =	wrdreg $0x0  }
0xb7: {  	s6 =	sshll.u32 s28, $0x1;
	[dreg:$0x2] =	wrdreg s4  }
0xb8: {  	[dreg:$0x3] =	wrdreg s6  }
0xb9: {  	[dreg:$0x4] =	wrdreg $0xC0  }
0xba: {  	_ =	task [dreg:s22], $0x5FFFF  }
0xbb: {  	[dreg:$0x1] =	wrdreg $0xFFFFFFFF  }
0xbc: {  	[dreg:$0x0] =	wrdreg $0x60  }
0xbd: {  	[dreg:$0x2] =	wrdreg s24  }
0xbe: {  	[dreg:$0x3] =	wrdreg s18  }
0xbf: {  	[dreg:$0x4] =	wrdreg $0x81000  }
0xc0: {  	[dreg:$0x5] =	wrdreg $0x9  }
0xc1: {  	_ =	task.clear_ibuf [dreg:s22], $0x6FFFF;
	_ =	strace $0x90000049  }
0xc2: {  	s29 =	simm.s32 $0x9;
	_ =	strace $0x8000004B  }
0xc3: {  	_ =	swait.ge [sflag:s29], $0x1  }
0xc4: {  	[sflag:s29] =	ssyncadd.s32 $0xFFFFFFFF  }
0xc5: {  	_ =	strace $0x9000004B  }
0xc6: {  	_ =	sfence  }
0xc7: {  	s30 =	sld [smem:$0x0];
	_ =	sdelay $0x2  }
0xc8: {  	s31 =	sshll.u32 s1, $0xD;
	s1 =	sshrl.u32 s1, $0x2  }
0xc9: {  	s4 =	sand.u32 $0x4000, s31;
	s1 =	sadd.s32 s1, s30  }
0xca: {  	s0 =	sor.u32 s4, s0;
	s1 =	sshll.u32 s1, $0x11  }
0xcb: {  	s0 =	sor.u32 s1, s0  }
0xcc: {  	s0 =	sadd.s32 $0x8F2B, s0  }
0xcd: {  	[sflag:s0] =	ssyncadd.remote.s32 $0x1  }
0xce: {  	_ =	sfence.sel $0xFFFF  }
0xcf: {  	[dreg:$0x0] =	wrdreg $0xFFFFFFFF;
	(pc) =	sbr.abs _section_cstart, $3  }
0xd0: {  	[dreg:$0x1] =	wrdreg $0xFFFFFFFF  }
0xd1: {  	_ =	task.clear_ibuf [dreg:s22], $0x2FFFF;
	_ =	strace $0x9FFFFFFF  }
0xd2: {  	(tm) =	ssettm $0x7FFFFFFF  }
0xd3: {  	_ =	shalt  }
tec
execute0_lowered:
.L_overlay_start_1:
0x0: {  	(tag) =	ssettag $0x1  }
0x1: {  	s0 =	rddreg [dreg:$0x0]  }
0x2: {  	s2 =	rddreg [dreg:$0x1]  }
0x3: {  	s1 =	rddreg [dreg:$0x2];
	s3 =	srdreg.scid  }
0x4: {  	s16 =	stileid.u32;
	s28 =	simm.s32 $0x4000;
	s29 =	simm.s32 $0x3  }
0x5: {  	s30 =	simm.s32 $0x1;
	s31 =	simm.s32 $0x80;
	s4 =	sand.u32 $0x1, s3  }
0x6: {  	s3 =	simm.s32 $0x0;
	s6 =	sadd.s32 $0x9C4800, s0;
	s8 =	smul.u32 $0x14000, s16  }
0x7: {  	s11 =	sadd.s32 $0x51000, s0;
	s5 =	ssub.s32 $0x2, s4;
	s15 =	sshll.u32 s4, $0x4  }
0x8: {  	s13 =	smul.u32 $0x140000, s4;
	[smem:$0x7FF] =	sst s3;
	s7 =	sshrl.u32 s5, $0x1  }
0x9: {  	s18 =	sadd.s32 $0x4000, s8;
	s19 =	sadd.s32 $0x8000, s8;
	s20 =	sadd.s32 $0xC000, s8  }
0xa: {  	s21 =	sadd.s32 $0x10000, s8;
	s5 =	ssub.s32 s5, s7;
	s7 =	sor.u32 s16, s15  }
0xb: {  	s8 =	sadd.s32 s8, s13;
	s23 =	sadd.s32 s13, s18;
	s25 =	sadd.s32 s13, s19  }
0xc: {  	s26 =	sadd.s32 s13, s20;
	s15 =	sshll.u32 s4, $0xF;
	s4 =	sshll.u32 s4, $0x8  }
0xd: {  	s18 =	sadd.s32 s18, s1;
	s19 =	sadd.s32 s19, s1;
	s20 =	sadd.s32 s20, s1  }
0xe: {  	s9 =	sshll.u32 s7, $0x4;
	s10 =	sshll.u32 s7, $0xB;
	s12 =	sshll.u32 s7, $0x7  }
0xf: {  	s8 =	sshrl.u32 s8, $0x3;
	s24 =	sshrl.u32 s23, $0x3;
	s23 =	sshll.u32 s16, $0x4  }
0x10: {  	s9 =	sadd.s32 s2, s9;
	s17 =	sadd.s32 s6, s10;
	s22 =	sor.u32 $0x1000, s12  }
0x11: {  	s8 =	sadd.s32 s11, s8;
	s10 =	sshrl.u32 s26, $0x3;
	[dreg:$0x4] =	wrdreg s9  }
0x12: {  	s26 =	sor.u32 $0x980, s7;
	[dreg:$0x5] =	wrdreg s17;
	s14 =	sshrl.u32 s22, $0x3  }
0x13: {  	s9 =	sshll.u32 s22, $0x4;
	[dreg:$0x7] =	wrdreg s8;
	s8 =	sadd.s32 s11, s24  }
0x14: {  	s10 =	sadd.s32 s11, s10;
	s22 =	smul.u32 $0x50000, s16;
	p0 =	sgt.u32 s26, $0x983  }
0x15: {  	s26 =	simm.s32 $0x8080;
	s9 =	sadd.s32 s6, s9;
	[dreg:$0x8] =	wrdreg s8  }
0x16: {  	s8 =	sadd.s32 s13, s21;
	s21 =	sadd.s32 s21, s1;
	[dreg:$0x6] =	wrdreg s9  }
0x17: {  	s9 =	sshrl.u32 s25, $0x3;
	s12 =	sshrl.u32 s8, $0x3;
	s25 =	sor.u32 $0x9C0, s7  }
0x18: {  	s24 =	sshrl.u32 s22, $0x2;
	s22 =	smax.u32 s5, $0x1;
	s9 =	sadd.s32 s11, s9  }
0x19: {  	s11 =	sadd.s32 s11, s12;
	s13 =	sshll.u32 s25, $0xB;
	s17 =	sshll.u32 s25, $0x4  }
0x1a: {  	_ =	strace $0x8000004A;
	p1 =	sgt.u32 s25, $0x9C3;
	s25 =	simm.s32 $0x8000  }
0x1b: {  	s12 =	sadd.s32 s6, s13;
	s6 =	sadd.s32 s15, s6;
	s15 =	sshll.u32 s16, $0xB  }
0x1c: {  	s13 =	sadd.s32 s2, s14;
	s16 =	sadd.s32 $0x800, s0;
	s0 =	simm.s32 $0x4  }
0x1d: {  	s14 =	sadd.s32 s15, s6;
	s15 =	sadd.s32 s2, s17;
	s2 =	sadd.s32 s4, s2  }
0x1e: {  	s17 =	sadd.s32 s24, s1;
	s24 =	simm.s32 $0x5;
	s2 =	sadd.s32 s23, s2  }
0x1f: {  	s4 =	simm.s32 $0x0;
	s23 =	sadd.s32 $0x400, s2;
	s2 =	simm.s32 $0x2  }
.LBB2_1:
0x20: {  	[tilespmem:s3], [sflag:$0x5] =	stream.linear.gather [hbm4b:s16+s3], $0x4000, $0x38;
	[tilespmem:$0x1C100] =	vst v63  }
0x21: {  	_ =	swait.ge [sflag:s24], $0x4000  }
0x22: {  	[sflag:s24] =	ssyncset.done $0x0  }
0x23: {  	[sflag:s24] =	ssyncadd.s32 $0xFFFFC000  }
0x24: {  	[spmem:s17] =	stream.linear.scatter [tilespmem:s3], [sflag:$0x5], $0x4000, $0x38;
	[tilespmem:$0x1C100] =	vst v63  }
0x25: {  	_ =	swait.ge [sflag:s24], $0x4000  }
0x26: {  	[sflag:s24] =	ssyncset.done $0x0  }
0x27: {  	[sflag:s24] =	ssyncadd.s32 $0xFFFFC000  }
0x28: {  	[spmem:s18] =	stream.linear.scatter [tilespmem:s3], [sflag:$0x5], $0x4000, $0x38;
	[tilespmem:$0x1C100] =	vst v63  }
0x29: {  	_ =	swait.ge [sflag:s24], $0x4000  }
0x2a: {  	[sflag:s24] =	ssyncset.done $0x0  }
0x2b: {  	[sflag:s24] =	ssyncadd.s32 $0xFFFFC000  }
0x2c: {  	[spmem:s19] =	stream.linear.scatter [tilespmem:s3], [sflag:$0x5], $0x4000, $0x38;
	[tilespmem:$0x1C100] =	vst v63  }
0x2d: {  	_ =	swait.ge [sflag:s24], $0x4000  }
0x2e: {  	[sflag:s24] =	ssyncset.done $0x0  }
0x2f: {  	[sflag:s24] =	ssyncadd.s32 $0xFFFFC000  }
0x30: {  	[spmem:s20] =	stream.linear.scatter [tilespmem:s3], [sflag:$0x5], $0x4000, $0x38;
	[tilespmem:$0x1C100] =	vst v63  }
0x31: {  	_ =	swait.ge [sflag:s24], $0x4000  }
0x32: {  	[sflag:s24] =	ssyncset.done $0x0  }
0x33: {  	[sflag:s24] =	ssyncadd.s32 $0xFFFFC000  }
0x34: {  	[spmem:s21] =	stream.linear.scatter [tilespmem:s3], [sflag:$0x5], $0x4000, $0x38;
	[tilespmem:$0x1C100] =	vst v63  }
0x35: {  	_ =	swait.ge [sflag:s24], $0x4000  }
0x36: {  	[sflag:s24] =	ssyncset.done $0x0  }
0x37: {  	s5 =	rddreg [dreg:$0x4];
	[sflag:s24] =	ssyncadd.s32 $0xFFFFC000  }
0x38: {  	[tilespmem:s25], [sflag:$0x3] =	stream.linear.gather [hbm4b:s5+s3], $0x80, $0x38;
	[tilespmem:$0x1C100] =	vst v63  }
0x39: {  	s8 =	rddreg [dreg:$0x5]  }
0x3a: {  	[tilespmem:s3], [sflag:$0x1] =	stream.linear.gather [hbm4b:s8+s3], $0x4000, $0x38;
	[tilespmem:$0x1C100] =	vst v63  }
0x3b: {  	_ = 	snop  }
0x3c: {  	[tilespmem:s26], [sflag:$0x4] =	stream.linear.gather [hbm4b:s13+s3], $0x80, $0x38;
	[tilespmem:$0x1C100] =	vst v63  }
0x3d: {  	s6 =	rddreg [dreg:$0x6]  }
0x3e: {  	[tilespmem:s28], [sflag:$0x2] =	stream.linear.gather [hbm4b:s6+s3], $0x4000, $0x38;
	[tilespmem:$0x1C100] =	vst v63  }
0x3f: {  	[bflag:$0x0] =	sbarrier.arrive $0xFFFF  }
0x40: {  	_ =	swait.ge [sflag:s29], $0x80  }
0x41: {  	[sflag:s29] =	ssyncset.done $0x0  }
0x42: {  	[sflag:s29] =	ssyncadd.s32 $0xFFFFFF80  }
0x43: {  	_ =	swait.ge [sflag:s30], $0x4000  }
0x44: {  	[sflag:s30] =	ssyncset.done $0x0  }
0x45: {  	[sflag:s30] =	ssyncadd.s32 $0xFFFFC000  }
0x46: {  	[spmem:s1] =	stream.indirect.scatter.add.f32 [tilespmem:s3], [sflag:$0x5], $0x80, s25, s31, $0xb8;
	[tilespmem:$0x1C100] =	vst v63  }
0x47: {  	_ =	swait.ge [sflag:s24], $0x4000  }
0x48: {  	[sflag:s24] =	ssyncset.done $0x0  }
0x49: {  	s6 =	sadd.s32 $0x0, s14;
	[sflag:s24] =	ssyncadd.s32 $0xFFFFC000  }
0x4a: {  	[tilespmem:s25], [sflag:$0x3] =	stream.linear.gather [hbm4b:s23+s3], $0x80, $0x38;
	[tilespmem:$0x1C100] =	vst v63  }
0x4b: {  	s7 =	sadd.s32 $0x20000, s6  }
0x4c: {  	[tilespmem:s3], [sflag:$0x1] =	stream.linear.gather [hbm4b:s7+s3], $0x4000, $0x38;
	[tilespmem:$0x1C100] =	vst v63  }
0x4d: {  	_ =	swait.ge [sflag:s0], $0x80  }
0x4e: {  	[sflag:s0] =	ssyncset.done $0x0  }
0x4f: {  	[sflag:s0] =	ssyncadd.s32 $0xFFFFFF80  }
0x50: {  	_ =	swait.ge [sflag:s2], $0x4000  }
0x51: {  	[sflag:s2] =	ssyncset.done $0x0  }
0x52: {  	[sflag:s2] =	ssyncadd.s32 $0xFFFFC000  }
0x53: {  	[spmem:s1] =	stream.indirect.scatter.add.f32 [tilespmem:s28], [sflag:$0x5], $0x80, s26, s31, $0xb8;
	[tilespmem:$0x1C100] =	vst v63  }
0x54: {  	_ =	swait.ge [sflag:s24], $0x4000  }
0x55: {  	s5 =	simm.s32 $0x20000;
	s8 =	sadd.s32 $0x200, s23;
	[sflag:s24] =	ssyncset.done $0x0  }
0x56: {  	s7 =	sadd.s32 $0x30000, s6;
	s6 =	sadd.s32 $0x400, s23;
	[sflag:s24] =	ssyncadd.s32 $0xFFFFC000  }
0x57: {  	[tilespmem:s26], [sflag:$0x4] =	stream.linear.gather [hbm4b:s8+s3], $0x80, $0x38;
	[tilespmem:$0x1C100] =	vst v63  }
.LBB2_2:
0x58: {  	[tilespmem:s28], [sflag:$0x2] =	stream.linear.gather [hbm4b:s7+s3], $0x4000, $0x38;
	[tilespmem:$0x1C100] =	vst v63  }
0x59: {  	s7 =	smov.u32 s5  }
0x5a: {  	p2 =	sne.s32 s5, $0x4A0000;
	s5 =	sadd.s32 $0x20000, s5;
	_ =	swait.ge [sflag:s29], $0x80  }
0x5b: {  	[sflag:s29] =	ssyncset.done $0x0  }
0x5c: {  	[sflag:s29] =	ssyncadd.s32 $0xFFFFFF80  }
0x5d: {  	_ =	swait.ge [sflag:s30], $0x4000  }
0x5e: {  	[sflag:s30] =	ssyncset.done $0x0  }
0x5f: {  	[sflag:s30] =	ssyncadd.s32 $0xFFFFC000  }
0x60: {  	[spmem:s1] =	stream.indirect.scatter.add.f32 [tilespmem:s3], [sflag:$0x5], $0x80, s25, s31, $0xb8;
	[tilespmem:$0x1C100] =	vst v63  }
0x61: {  	_ =	swait.ge [sflag:s24], $0x4000  }
0x62: {  	[sflag:s24] =	ssyncset.done $0x0  }
0x63: {  	s7 =	sadd.s32 s7, s14;
	[sflag:s24] =	ssyncadd.s32 $0xFFFFC000  }
0x64: {  	[tilespmem:s25], [sflag:$0x3] =	stream.linear.gather [hbm4b:s6+s3], $0x80, $0x38;
	[tilespmem:$0x1C100] =	vst v63  }
0x65: {  	s8 =	sadd.s32 $0x20000, s7  }
0x66: {  	[tilespmem:s3], [sflag:$0x1] =	stream.linear.gather [hbm4b:s8+s3], $0x4000, $0x38;
	[tilespmem:$0x1C100] =	vst v63  }
0x67: {  	_ =	swait.ge [sflag:s0], $0x80  }
0x68: {  	[sflag:s0] =	ssyncset.done $0x0  }
0x69: {  	[sflag:s0] =	ssyncadd.s32 $0xFFFFFF80  }
0x6a: {  	_ =	swait.ge [sflag:s2], $0x4000  }
0x6b: {  	[sflag:s2] =	ssyncset.done $0x0  }
0x6c: {  	[sflag:s2] =	ssyncadd.s32 $0xFFFFC000  }
0x6d: {  	[spmem:s1] =	stream.indirect.scatter.add.f32 [tilespmem:s28], [sflag:$0x5], $0x80, s26, s31, $0xb8;
	[tilespmem:$0x1C100] =	vst v63  }
.Ltmp0:
0x6e: {  	_ =	swait.ge [sflag:s24], $0x4000;
	(pc) =	sbr.rel @p2 .LBB2_2-.Ltmp0, $4  }
0x6f: {  	[sflag:s24] =	ssyncset.done $0x0  }
0x70: {  	s8 =	sadd.s32 $0x200, s6;
	[sflag:s24] =	ssyncadd.s32 $0xFFFFC000  }
0x71: {  	[tilespmem:s26], [sflag:$0x4] =	stream.linear.gather [hbm4b:s8+s3], $0x80, $0x38;
	[tilespmem:$0x1C100] =	vst v63  }
0x72: {  	s7 =	sadd.s32 $0x30000, s7;
	s6 =	sadd.s32 $0x400, s6  }
0x73: {  	[tilespmem:s28], [sflag:$0x2] =	stream.linear.gather [hbm4b:s7+s3], $0x4000, $0x38;
	[tilespmem:$0x1C100] =	vst v63  }
0x74: {  	_ =	swait.ge [sflag:s29], $0x80  }
0x75: {  	[sflag:s29] =	ssyncset.done $0x0  }
0x76: {  	[sflag:s29] =	ssyncadd.s32 $0xFFFFFF80  }
0x77: {  	_ =	swait.ge [sflag:s30], $0x4000  }
0x78: {  	[sflag:s30] =	ssyncset.done $0x0  }
0x79: {  	[sflag:s30] =	ssyncadd.s32 $0xFFFFC000  }
0x7a: {  	[spmem:s1] =	stream.indirect.scatter.add.f32 [tilespmem:s3], [sflag:$0x5], $0x80, s25, s31, $0xb8;
	[tilespmem:$0x1C100] =	vst v63  }
0x7b: {  	_ =	swait.ge [sflag:s24], $0x4000  }
0x7c: {  	[sflag:s24] =	ssyncset.done $0x0  }
0x7d: {  	s5 =	simm.s32 @!p0 $0x0;
	s6 =	simm.s32 @!p0 $0x8000;
	[sflag:s24] =	ssyncadd.s32 $0xFFFFC000  }
0x7e: {  	[tilespmem:s6], [sflag:$0x3] =	stream.linear.gather @!p0 [hbm4b:s15+s5], $0x80, $0x38;
	[tilespmem:$0x1C100] =	vst v63  }
0x7f: {  	_ = 	snop  }
0x80: {  	[tilespmem:s5], [sflag:$0x1] =	stream.linear.gather @!p0 [hbm4b:s12+s5], $0x4000, $0x38;
	[tilespmem:$0x1C100] =	vst v63  }
0x81: {  	_ =	swait.ge [sflag:s0], $0x80  }
0x82: {  	[sflag:s0] =	ssyncset.done $0x0  }
0x83: {  	[sflag:s0] =	ssyncadd.s32 $0xFFFFFF80  }
0x84: {  	_ =	swait.ge [sflag:s2], $0x4000  }
0x85: {  	[sflag:s2] =	ssyncset.done $0x0  }
0x86: {  	[sflag:s2] =	ssyncadd.s32 $0xFFFFC000  }
0x87: {  	[spmem:s1] =	stream.indirect.scatter.add.f32 [tilespmem:s28], [sflag:$0x5], $0x80, s26, s31, $0xb8;
	[tilespmem:$0x1C100] =	vst v63  }
0x88: {  	_ =	swait.ge [sflag:s24], $0x4000  }
0x89: {  	[sflag:s24] =	ssyncset.done $0x0  }
0x8a: {  	s5 =	simm.s32 @!p1 $0x3;
	[sflag:s24] =	ssyncadd.s32 $0xFFFFC000  }
0x8b: {  	_ =	swait.ge @!p1 [sflag:s5], $0x80  }
0x8c: {  	[sflag:s5] =	ssyncset.done @!p1 $0x0  }
0x8d: {  	[sflag:s5] =	ssyncadd.s32 @!p1 $0xFFFFFF80;
	s5 =	simm.s32 @!p1 $0x1  }
0x8e: {  	_ =	swait.ge @!p1 [sflag:s5], $0x4000  }
0x8f: {  	s7 =	simm.s32 @!p1 $0x0;
	[sflag:s5] =	ssyncset.done @!p1 $0x0  }
0x90: {  	s6 =	simm.s32 @!p1 $0x8000;
	[sflag:s5] =	ssyncadd.s32 @!p1 $0xFFFFC000;
	s5 =	simm.s32 @!p1 $0x80  }
0x91: {  	[spmem:s1] =	stream.indirect.scatter.add.f32 @!p1 [tilespmem:s7], [sflag:$0x5], $0x80, s6, s5, $0xb8;
	[tilespmem:$0x1C100] =	vst v63  }
0x92: {  	s5 =	simm.s32 @!p1 $0x5  }
0x93: {  	_ =	swait.ge @!p1 [sflag:s5], $0x4000  }
0x94: {  	[sflag:s5] =	ssyncset.done @!p1 $0x0  }
0x95: {  	[sflag:s5] =	ssyncadd.s32 @!p1 $0xFFFFC000  }
0x96: {  	[bflag:$0x0] =	sbarrier.arrive $0xFFFF  }
0x97: {  	[tilespmem:s3], [sflag:$0x5] =	stream.linear.gather [spmem:s17], $0x4000, $0x38;
	[tilespmem:$0x1C100] =	vst v63  }
0x98: {  	_ =	swait.ge [sflag:s24], $0x4000  }
0x99: {  	[sflag:s24] =	ssyncset.done $0x0  }
0x9a: {  	s7 =	rddreg [dreg:$0x7];
	[sflag:s24] =	ssyncadd.s32 $0xFFFFC000  }
0x9b: {  	[hbm4b:s7+s3] =	stream.linear.scatter [tilespmem:s3], [sflag:$0x5], $0x4000, $0x38;
	[tilespmem:$0x1C100] =	vst v63  }
0x9c: {  	_ =	swait.ge [sflag:s24], $0x4000  }
0x9d: {  	[sflag:s24] =	ssyncset.done $0x0  }
0x9e: {  	[sflag:s24] =	ssyncadd.s32 $0xFFFFC000  }
0x9f: {  	[tilespmem:s3], [sflag:$0x5] =	stream.linear.gather [spmem:s18], $0x4000, $0x38;
	[tilespmem:$0x1C100] =	vst v63  }
0xa0: {  	_ =	swait.ge [sflag:s24], $0x4000  }
0xa1: {  	[sflag:s24] =	ssyncset.done $0x0  }
0xa2: {  	s8 =	rddreg [dreg:$0x8];
	[sflag:s24] =	ssyncadd.s32 $0xFFFFC000  }
0xa3: {  	[hbm4b:s8+s3] =	stream.linear.scatter [tilespmem:s3], [sflag:$0x5], $0x4000, $0x38;
	[tilespmem:$0x1C100] =	vst v63  }
0xa4: {  	_ =	swait.ge [sflag:s24], $0x4000  }
0xa5: {  	[sflag:s24] =	ssyncset.done $0x0  }
0xa6: {  	[sflag:s24] =	ssyncadd.s32 $0xFFFFC000  }
0xa7: {  	[tilespmem:s3], [sflag:$0x5] =	stream.linear.gather [spmem:s19], $0x4000, $0x38;
	[tilespmem:$0x1C100] =	vst v63  }
0xa8: {  	_ =	swait.ge [sflag:s24], $0x4000  }
0xa9: {  	[sflag:s24] =	ssyncset.done $0x0  }
0xaa: {  	[sflag:s24] =	ssyncadd.s32 $0xFFFFC000  }
0xab: {  	[hbm4b:s9+s3] =	stream.linear.scatter [tilespmem:s3], [sflag:$0x5], $0x4000, $0x38;
	[tilespmem:$0x1C100] =	vst v63  }
0xac: {  	_ =	swait.ge [sflag:s24], $0x4000  }
0xad: {  	[sflag:s24] =	ssyncset.done $0x0  }
0xae: {  	[sflag:s24] =	ssyncadd.s32 $0xFFFFC000  }
0xaf: {  	[tilespmem:s3], [sflag:$0x5] =	stream.linear.gather [spmem:s20], $0x4000, $0x38;
	[tilespmem:$0x1C100] =	vst v63  }
0xb0: {  	_ =	swait.ge [sflag:s24], $0x4000  }
0xb1: {  	[sflag:s24] =	ssyncset.done $0x0  }
0xb2: {  	[sflag:s24] =	ssyncadd.s32 $0xFFFFC000  }
0xb3: {  	[hbm4b:s10+s3] =	stream.linear.scatter [tilespmem:s3], [sflag:$0x5], $0x4000, $0x38;
	[tilespmem:$0x1C100] =	vst v63  }
0xb4: {  	_ =	swait.ge [sflag:s24], $0x4000  }
0xb5: {  	[sflag:s24] =	ssyncset.done $0x0  }
0xb6: {  	[sflag:s24] =	ssyncadd.s32 $0xFFFFC000  }
0xb7: {  	[tilespmem:s3], [sflag:$0x5] =	stream.linear.gather [spmem:s21], $0x4000, $0x38;
	[tilespmem:$0x1C100] =	vst v63  }
0xb8: {  	s4 =	sadd.s32 $0x1, s4;
	_ =	swait.ge [sflag:s24], $0x4000  }
0xb9: {  	p2 =	sne.s32 s4, s22;
	[sflag:s24] =	ssyncset.done $0x0  }
.Ltmp1:
0xba: {  	[sflag:s24] =	ssyncadd.s32 $0xFFFFC000;
	(pc) =	sbr.rel @p2 .LBB2_1-.Ltmp1, $4  }
0xbb: {  	[hbm4b:s11+s3] =	stream.linear.scatter [tilespmem:s3], [sflag:$0x5], $0x4000, $0x38;
	[tilespmem:$0x1C100] =	vst v63  }
0xbc: {  	_ =	swait.ge [sflag:s24], $0x4000  }
0xbd: {  	[sflag:s24] =	ssyncset.done $0x0  }
0xbe: {  	[sflag:s24] =	ssyncadd.s32 $0xFFFFC000  }
0xbf: {  	_ =	sfence.sel $0x180000  }
0xc0: {  	[bflag:$0x0] =	sbarrier.arrive $0xFFFF  }
0xc1: {  	_ =	strace $0x9000004A  }
0xc2: {  	s0 =	stileid.u32;
	[bflag:$0x2] =	sbarrier.arrive $0xFFFF  }
0xc3: {  	p0 =	sne.s32 s0, $0x0;
	s0 =	rddreg [dreg:$0x3]  }
0xc4: {  	s0 =	sadd.s32 @!p0 $0x100000, s0  }
0xc5: {  	[sflag:s0] =	ssyncadd.tile.s32 @!p0 $0x1;
	_ =	shalt  }
.Lfunc_end2:
_tile_overlayer_lowered:
.L_overlay_start_2:
0xc6: {  	(tag) =	ssettag $0x2  }
0xc7: {  	s0 =	rddreg [dreg:$0x0];
	s2 =	stileid.u32  }
0xc8: {  	s1 =	rddreg [dreg:$0x1];
	p0 =	sne.s32 s2, $0x0  }
0xc9: {  	s3 =	rddreg [dreg:$0x2];
	[bflag:$0x3] =	sbarrier.arrive $0xFFFF;
	s2 =	simm.s32 @!p0 $0x1C05  }
0xca: {  	[timem:s3], [sflag:s2] =	dma.local @!p0 [hbm:s0], s1  }
0xcb: {  	s0 =	simm.s32 @!p0 $0x5  }
0xcc: {  	_ =	swait.ge @!p0 [sflag:s0], s1  }
0xcd: {  	s1 =	ssub.s32 @!p0 $0x0, s1;
	[sflag:s0] =	ssyncset.done @!p0 $0x0  }
0xce: {  	[sflag:s0] =	ssyncadd.s32 @!p0 s1  }
0xcf: {  	[bflag:$0x3] =	sbarrier.arrive $0xFFFF  }
0xd0: {  	_ =	shalt  }

// kernel: kernel.9.cloned.1.call-start
scs
__scs_entry_jumppad:
0x0: {  	(pc) =	sbr.rel $0x88, $3  }
0x1: {  	(tag) =	ssettag $0x0;
	lr =	simm.s32 $0x1  }
0x2: {  	[smem:$0x3F9D] =	sst lr;
	_ =	strace $0xD0000000  }
0x3: {  	_ = 	snop  }
0x4: {  	_ = 	snop  }
0x5: {  	_ = 	snop  }
0x6: {  	_ = 	snop  }
0x7: {  	_ = 	snop  }
__scs_overlays_trampoline_lowered:
0x8: {  	[smem:$0x3FAC] =	sst s0  }
0x9: {  	[smem:$0x3FAD] =	sst s1  }
0xa: {  	[smem:$0x3FAE] =	sst s2  }
0xb: {  	[smem:$0x3FAF] =	sst s3  }
0xc: {  	[smem:$0x3FB0] =	sst s4  }
0xd: {  	[smem:$0x3FB1] =	sst s5  }
0xe: {  	[smem:$0x3FB2] =	sst s6  }
0xf: {  	[smem:$0x3FB3] =	sst s7  }
0x10: {  	[smem:$0x3FB4] =	sst s8  }
0x11: {  	[smem:$0x3FB5] =	sst s9;
	s0 =	simm.s32 @!p0 $0x0  }
0x12: {  	s1 =	sld [smem:$0x3F9B];
	s0 =	simm.s32 @p0 $0x1  }
0x13: {  	[smem:$0x3FB6] =	sst s0;
	s0 =	simm.s32 @!p1 $0x0  }
0x14: {  	s2 =	sld [smem:$0x3F9A];
	s0 =	simm.s32 @p1 $0x1  }
0x15: {  	[smem:$0x3FB7] =	sst s0;
	s0 =	simm.s32 @!p2 $0x0  }
0x16: {  	s3 =	sld [smem:$0x3FDB];
	s0 =	simm.s32 @p2 $0x1  }
0x17: {  	s4 =	simm.s32 $0x1BF5;
	[smem:$0x3FB9] =	sst s0  }
0x18: {  	s0 =	sld [smem:$0x3F9C];
	_ =	swait.ge [sflag:s4], $0x0  }
0x19: {  	s7 =	sld [smem:$0x3F9D]  }
0x1a: {  	s8 =	sadd.s32 $0xFFFFE003, lr  }
0x1b: {  	s9 =	sadd.s32 $0xFFFFFEF7, lr;
	s5 =	simm.s32 $0xFFFFFFFF;
	p2 =	slt.u32 s8, $0xFFFFF086  }
0x1c: {  	p1 =	slt.u32 s9, $0xF7A;
	s5 =	simm.s32 @!p2 $0x0  }
0x1d: {  	s5 =	simm.s32 @p1 $0x1;
	p0 =	seq.s32 s7, s2  }
0x1e: {  	s7 =	smul.u32 @!p0 $0xF7A, s2;
	p2 =	seq.s32 @!p0 s5, $0x0  }
0x1f: {  	s9 =	smul.u32 $0xF7A, s1;
	s8 =	simm.s32 @!p0 $0x1BF5;
	p2 =	por !p2, p0  }
0x20: {  	[sflag:s8] =	ssyncset.s32 @!p0 $0xFFFFF086;
	s6 =	sadd.s32 @!p0 s3, s7;
	s7 =	simm.s32 @!p0 $0x108  }
0x21: {  	s3 =	sadd.s32 s3, s9;
	s6 =	sadd.s32 @!p0 $0x88, s6;
	s7 =	simm.s32 @p2 $0x1082  }
0x22: {  	[simem:s7], [sflag:s8] =	dma.local @!p0 [hbm:s6], $0xF7A  }
0x23: {  	s9 =	sor.u32 $0xD0000000, s2;
	s6 =	simm.s32 $0x108;
	_ =	swait.ge @!p0 [sflag:s8], $0x0  }
0x24: {  	s3 =	sadd.s32 $0x88, s3;
	s6 =	simm.s32 @!p1 $0x1082;
	[sflag:s4] =	ssyncset.s32 $0xFFFFF086  }
0x25: {  	[simem:s6], [sflag:s4] =	dma.local [hbm:s3], $0xF7A  }
0x26: {  	[smem:$0x3F9D] =	sst s1;
	(tag) =	ssettag s2;
	_ =	strace s9  }
0x27: {  	s1 =	sld [smem:$0x3FAD]  }
0x28: {  	s2 =	sld [smem:$0x3FAE]  }
0x29: {  	s4 =	sld [smem:$0x3FB0]  }
0x2a: {  	p0 =	seq.s32 s5, $0x0;
	s5 =	sld [smem:$0x3FB1]  }
0x2b: {  	s6 =	sld [smem:$0x3FB2]  }
0x2c: {  	s7 =	sld [smem:$0x3FB3]  }
0x2d: {  	s3 =	simm.s32 $0x108;
	s8 =	sld [smem:$0x3FB4]  }
0x2e: {  	s3 =	simm.s32 @!p0 $0x1082;
	s9 =	sld [smem:$0x3FB5]  }
0x2f: {  	lr =	sadd.s32 s0, s3;
	s0 =	sld [smem:$0x3FAC]  }
0x30: {  	s3 =	sld [smem:$0x3FAF]  }
0x31: {  	[smem:$0x3FB8] =	sst s10  }
0x32: {  	s10 =	sld [smem:$0x3FB6];
	_ =	sdelay $0x3  }
0x33: {  	p0 =	seq.s32 s10, $0x1;
	s10 =	sld [smem:$0x3FB8];
	_ =	sdelay $0x3  }
0x34: {  	[smem:$0x3FB8] =	sst s10  }
0x35: {  	s10 =	sld [smem:$0x3FB7];
	_ =	sdelay $0x3  }
0x36: {  	p1 =	seq.s32 s10, $0x1;
	s10 =	sld [smem:$0x3FB8];
	_ =	sdelay $0x3  }
0x37: {  	[smem:$0x3FB8] =	sst s10  }
0x38: {  	s10 =	sld [smem:$0x3FB9]  }
0x39: {  	_ = 	snop;
	(pc) =	sbr.ind lr, $3  }
0x3a: {  	_ = 	snop  }
0x3b: {  	_ = 	snop  }
0x3c: {  	p2 =	seq.s32 s10, $0x1;
	s10 =	sld [smem:$0x3FB8]  }
0x3d: {  	_ =	shalt  }
0x3e: {  	_ =	shalt  }
0x3f: {  	_ =	shalt  }
0x40: {  	_ =	shalt  }
0x41: {  	_ =	shalt  }
0x42: {  	_ =	shalt  }
0x43: {  	_ =	shalt  }
0x44: {  	_ =	shalt  }
0x45: {  	_ =	shalt  }
0x46: {  	_ =	shalt  }
0x47: {  	_ =	shalt  }
0x48: {  	_ =	shalt  }
0x49: {  	_ =	shalt  }
0x4a: {  	_ =	shalt  }
0x4b: {  	_ =	shalt  }
0x4c: {  	_ =	shalt  }
0x4d: {  	_ =	shalt  }
0x4e: {  	_ =	shalt  }
0x4f: {  	_ =	shalt  }
0x50: {  	_ =	shalt  }
0x51: {  	_ =	shalt  }
0x52: {  	_ =	shalt  }
0x53: {  	_ =	shalt  }
0x54: {  	_ =	shalt  }
0x55: {  	_ =	shalt  }
0x56: {  	_ =	shalt  }
0x57: {  	_ =	shalt  }
0x58: {  	_ =	shalt  }
0x59: {  	_ =	shalt  }
0x5a: {  	_ =	shalt  }
0x5b: {  	_ =	shalt  }
0x5c: {  	_ =	shalt  }
0x5d: {  	_ =	shalt  }
0x5e: {  	_ =	shalt  }
0x5f: {  	_ =	shalt  }
0x60: {  	_ =	shalt  }
0x61: {  	_ =	shalt  }
0x62: {  	_ =	shalt  }
0x63: {  	_ =	shalt  }
0x64: {  	_ =	shalt  }
0x65: {  	_ =	shalt  }
0x66: {  	_ =	shalt  }
0x67: {  	_ =	shalt  }
0x68: {  	_ =	shalt  }
0x69: {  	_ =	shalt  }
0x6a: {  	_ =	shalt  }
0x6b: {  	_ =	shalt  }
0x6c: {  	_ =	shalt  }
0x6d: {  	_ =	shalt  }
0x6e: {  	_ =	shalt  }
0x6f: {  	_ =	shalt  }
0x70: {  	_ =	shalt  }
0x71: {  	_ =	shalt  }
0x72: {  	_ =	shalt  }
0x73: {  	_ =	shalt  }
0x74: {  	_ =	shalt  }
0x75: {  	_ =	shalt  }
0x76: {  	_ =	shalt  }
0x77: {  	_ =	shalt  }
0x78: {  	_ =	shalt  }
0x79: {  	_ =	shalt  }
0x7a: {  	_ =	shalt  }
0x7b: {  	_ =	shalt  }
0x7c: {  	_ =	shalt  }
0x7d: {  	_ =	shalt  }
0x7e: {  	_ =	shalt  }
0x7f: {  	_ =	shalt  }
0x80: {  	_ =	shalt  }
0x81: {  	_ =	shalt  }
0x82: {  	_ =	shalt  }
0x83: {  	_ =	shalt  }
0x84: {  	_ =	shalt  }
0x85: {  	_ =	shalt  }
0x86: {  	_ =	shalt  }
0x87: {  	_ =	shalt  }
.Lfunc_end0:
.L_simem_size_0:
called_computation.1_lowered:
.L_overlay_start_0:
0x88: {  	s2 =	sld [smem:$0x3FD9]  }
0x89: {  	s3 =	sld [smem:$0x3FFE];
	_ =	sdelay $0x1  }
0x8a: {  	s1 =	srdreg.scid  }
0x8b: {  	s0 =	sand.u32 $0x1, s1  }
0x8c: {  	s17 =	sshll.u32 s0, $0xA;
	s2 =	sadd.s32 s3, s2  }
0x8d: {  	s2 =	sadd.s32 s2, s17  }
0x8e: {  	[smem:$0x3FC4] =	sst s2  }
0x8f: {  	_ = 	snop  }
0x90: {  	s2 =	sld [smem:$0x3FD0];
	(tm) =	ssettm $0x1  }
0x91: {  	s18 =	sld [smem:$0x3FFB];
	_ =	sdelay $0x3  }
0x92: {  	_ =	strace s18  }
0x93: {  	s3 =	sld [smem:$0x3FFC];
	_ =	sdelay $0x3  }
0x94: {  	_ =	strace s3  }
0x95: {  	s3 =	sld [smem:$0x3FFD];
	_ =	sdelay $0x3  }
0x96: {  	_ =	strace s3  }
0x97: {  	_ =	strace $0x8FFFFFFF  }
0x98: {  	s19 =	sld [smem:$0x3FDB];
	_ =	sdelay $0x1  }
0x99: {  	s4 =	simm.s32 $_scs_section_size  }
0x9a: {  	s5 =	simm.s32 $_size__tile_overlayer_lowered;
	s6 =	simm.s32 $_tile_overlayer_lowered  }
0x9b: {  	s22 =	simm.s32 $0x1BFF;
	s21 =	sshll.u32 s6, $0x1;
	s3 =	sadd.s32 s4, s19  }
0x9c: {  	s7 =	simm.s32 $0x0;
	s20 =	sshll.u32 s5, $0x1;
	s5 =	sadd.s32 s21, s3  }
0x9d: {  	[timem:s7], [sflag:s22] =	dma.local [hbm:s5], s20  }
0x9e: {  	_ =	swait.ge [sflag:s22], s20  }
0x9f: {  	s4 =	ssub.s32 $0x0, s20;
	[sflag:s22] =	ssyncset.done $0x0  }
0xa0: {  	[sflag:s22] =	ssyncadd.s32 s4;
	_ =	sdelay $0x1  }
0xa1: {  	s23 =	simm.s32 $0x1B8B  }
0xa2: {  	_ =	swait.ge [sflag:s23], $0x1  }
0xa3: {  	[sflag:s23] =	ssyncset.done $0x0  }
0xa4: {  	s25 =	simm.s32 $0x1B8E;
	s24 =	sld [smem:$0x3FFE];
	[sflag:s23] =	ssyncadd.s32 $0xFFFFFFFF  }
0xa5: {  	s26 =	simm.s32 $execute0_lowered;
	[smem:$0x3FD2] =	sst s25  }
0xa6: {  	s5 =	sshll.u32 s26, $0x1;
	_ =	strace $0x80000046;
	[dreg:$0x1] =	wrdreg $0xFFFFFFFF  }
0xa7: {  	s28 =	simm.s32 $_size_execute0_lowered;
	s3 =	sadd.s32 s3, s5;
	[dreg:$0x0] =	wrdreg $0x0  }
0xa8: {  	s5 =	sshll.u32 s28, $0x1;
	[dreg:$0x2] =	wrdreg s3  }
0xa9: {  	[dreg:$0x3] =	wrdreg s5  }
0xaa: {  	[dreg:$0x4] =	wrdreg $0xC0  }
0xab: {  	_ =	task [dreg:s7], $0x5FFFF  }
0xac: {  	[dreg:$0x1] =	wrdreg $0xFFFFFFFF  }
0xad: {  	[dreg:$0x0] =	wrdreg $0x60  }
0xae: {  	[dreg:$0x2] =	wrdreg s24  }
0xaf: {  	[dreg:$0x3] =	wrdreg s2  }
0xb0: {  	[dreg:$0x4] =	wrdreg $0x81000  }
0xb1: {  	[dreg:$0x5] =	wrdreg $0xA  }
0xb2: {  	_ =	task.clear_ibuf [dreg:s7], $0x6FFFF;
	_ =	strace $0x90000046  }
0xb3: {  	s29 =	simm.s32 $0xA;
	_ =	strace $0x80000048  }
0xb4: {  	_ =	swait.ge [sflag:s29], $0x1  }
0xb5: {  	[sflag:s29] =	ssyncadd.s32 $0xFFFFFFFF  }
0xb6: {  	_ =	strace $0x90000048  }
0xb7: {  	_ =	sfence  }
0xb8: {  	s30 =	sld [smem:$0x0];
	_ =	sdelay $0x2  }
0xb9: {  	s31 =	sshll.u32 s1, $0xD;
	s1 =	sshrl.u32 s1, $0x2  }
0xba: {  	s3 =	sand.u32 $0x4000, s31;
	s1 =	sadd.s32 s1, s30  }
0xbb: {  	s0 =	sor.u32 s3, s0;
	s1 =	sshll.u32 s1, $0x11  }
0xbc: {  	s0 =	sor.u32 s1, s0  }
0xbd: {  	s0 =	sadd.s32 $0x8F2B, s0  }
0xbe: {  	[sflag:s0] =	ssyncadd.remote.s32 $0x1  }
0xbf: {  	_ =	sfence.sel $0xFFFF  }
0xc0: {  	[dreg:$0x0] =	wrdreg $0xFFFFFFFF;
	(pc) =	sbr.abs _section_cstart, $3  }
0xc1: {  	[dreg:$0x1] =	wrdreg $0xFFFFFFFF  }
0xc2: {  	_ =	task.clear_ibuf [dreg:s7], $0x2FFFF;
	_ =	strace $0x9FFFFFFF  }
0xc3: {  	(tm) =	ssettm $0x7FFFFFFF  }
tec
execute0_lowered:
.L_overlay_start_1:
0x0: {  	(tag) =	ssettag $0x1  }
0x1: {  	s0 =	rddreg [dreg:$0x0]  }
0x2: {  	s2 =	rddreg [dreg:$0x1]  }
0x3: {  	s1 =	rddreg [dreg:$0x2];
	s3 =	srdreg.scid  }
0x4: {  	s16 =	stileid.u32;
	s28 =	simm.s32 $0x4000;
	s29 =	simm.s32 $0x3  }
0x5: {  	s30 =	simm.s32 $0x1;
	s31 =	simm.s32 $0x80;
	s4 =	sand.u32 $0x1, s3  }
0x6: {  	s3 =	simm.s32 $0x0;
	s6 =	sadd.s32 $0x4E2800, s0;
	s8 =	smul.u32 $0x14000, s16  }
0x7: {  	s11 =	sadd.s32 $0x1000, s0;
	s5 =	ssub.s32 $0x2, s4;
	s15 =	sshll.u32 s4, $0x4  }
0x8: {  	s13 =	smul.u32 $0x140000, s4;
	[smem:$0x7FF] =	sst s3;
	s7 =	sshrl.u32 s5, $0x1  }
0x9: {  	s18 =	sadd.s32 $0x4000, s8;
	s19 =	sadd.s32 $0x8000, s8;
	s20 =	sadd.s32 $0xC000, s8  }
0xa: {  	s21 =	sadd.s32 $0x10000, s8;
	s5 =	ssub.s32 s5, s7;
	s7 =	sor.u32 s16, s15  }
0xb: {  	s8 =	sadd.s32 s8, s13;
	s23 =	sadd.s32 s13, s18;
	s25 =	sadd.s32 s13, s19  }
0xc: {  	s26 =	sadd.s32 s13, s20;
	s15 =	sshll.u32 s4, $0xF;
	s4 =	sshll.u32 s4, $0x8  }
0xd: {  	s18 =	sadd.s32 s18, s1;
	s19 =	sadd.s32 s19, s1;
	s20 =	sadd.s32 s20, s1  }
0xe: {  	s9 =	sshll.u32 s7, $0x4;
	s10 =	sshll.u32 s7, $0xB;
	s12 =	sshll.u32 s7, $0x7  }
0xf: {  	s8 =	sshrl.u32 s8, $0x3;
	s24 =	sshrl.u32 s23, $0x3;
	s23 =	sshll.u32 s16, $0x4  }
0x10: {  	s9 =	sadd.s32 s2, s9;
	s17 =	sadd.s32 s6, s10;
	s22 =	sor.u32 $0x1000, s12  }
0x11: {  	s8 =	sadd.s32 s11, s8;
	s10 =	sshrl.u32 s26, $0x3;
	[dreg:$0x4] =	wrdreg s9  }
0x12: {  	s26 =	sor.u32 $0x980, s7;
	[dreg:$0x5] =	wrdreg s17;
	s14 =	sshrl.u32 s22, $0x3  }
0x13: {  	s9 =	sshll.u32 s22, $0x4;
	[dreg:$0x7] =	wrdreg s8;
	s8 =	sadd.s32 s11, s24  }
0x14: {  	s10 =	sadd.s32 s11, s10;
	s22 =	smul.u32 $0x50000, s16;
	p0 =	sgt.u32 s26, $0x983  }
0x15: {  	s26 =	simm.s32 $0x8080;
	s9 =	sadd.s32 s6, s9;
	[dreg:$0x8] =	wrdreg s8  }
0x16: {  	s8 =	sadd.s32 s13, s21;
	s21 =	sadd.s32 s21, s1;
	[dreg:$0x6] =	wrdreg s9  }
0x17: {  	s9 =	sshrl.u32 s25, $0x3;
	s12 =	sshrl.u32 s8, $0x3;
	s25 =	sor.u32 $0x9C0, s7  }
0x18: {  	s24 =	sshrl.u32 s22, $0x2;
	s22 =	smax.u32 s5, $0x1;
	s9 =	sadd.s32 s11, s9  }
0x19: {  	s11 =	sadd.s32 s11, s12;
	s13 =	sshll.u32 s25, $0xB;
	s17 =	sshll.u32 s25, $0x4  }
0x1a: {  	_ =	strace $0x80000047;
	p1 =	sgt.u32 s25, $0x9C3;
	s25 =	simm.s32 $0x8000  }
0x1b: {  	s12 =	sadd.s32 s6, s13;
	s6 =	sadd.s32 s15, s6;
	s15 =	sshll.u32 s16, $0xB  }
0x1c: {  	s13 =	sadd.s32 s2, s14;
	s16 =	sadd.s32 $0x800, s0;
	s0 =	simm.s32 $0x4  }
0x1d: {  	s14 =	sadd.s32 s15, s6;
	s15 =	sadd.s32 s2, s17;
	s2 =	sadd.s32 s4, s2  }
0x1e: {  	s17 =	sadd.s32 s24, s1;
	s24 =	simm.s32 $0x5;
	s2 =	sadd.s32 s23, s2  }
0x1f: {  	s4 =	simm.s32 $0x0;
	s23 =	sadd.s32 $0x400, s2;
	s2 =	simm.s32 $0x2  }
.LBB2_1:
0x20: {  	[tilespmem:s3], [sflag:$0x5] =	stream.linear.gather [hbm4b:s16+s3], $0x4000, $0x38;
	[tilespmem:$0x1C100] =	vst v63  }
0x21: {  	_ =	swait.ge [sflag:s24], $0x4000  }
0x22: {  	[sflag:s24] =	ssyncset.done $0x0  }
0x23: {  	[sflag:s24] =	ssyncadd.s32 $0xFFFFC000  }
0x24: {  	[spmem:s17] =	stream.linear.scatter [tilespmem:s3], [sflag:$0x5], $0x4000, $0x38;
	[tilespmem:$0x1C100] =	vst v63  }
0x25: {  	_ =	swait.ge [sflag:s24], $0x4000  }
0x26: {  	[sflag:s24] =	ssyncset.done $0x0  }
0x27: {  	[sflag:s24] =	ssyncadd.s32 $0xFFFFC000  }
0x28: {  	[spmem:s18] =	stream.linear.scatter [tilespmem:s3], [sflag:$0x5], $0x4000, $0x38;
	[tilespmem:$0x1C100] =	vst v63  }
0x29: {  	_ =	swait.ge [sflag:s24], $0x4000  }
0x2a: {  	[sflag:s24] =	ssyncset.done $0x0  }
0x2b: {  	[sflag:s24] =	ssyncadd.s32 $0xFFFFC000  }
0x2c: {  	[spmem:s19] =	stream.linear.scatter [tilespmem:s3], [sflag:$0x5], $0x4000, $0x38;
	[tilespmem:$0x1C100] =	vst v63  }
0x2d: {  	_ =	swait.ge [sflag:s24], $0x4000  }
0x2e: {  	[sflag:s24] =	ssyncset.done $0x0  }
0x2f: {  	[sflag:s24] =	ssyncadd.s32 $0xFFFFC000  }
0x30: {  	[spmem:s20] =	stream.linear.scatter [tilespmem:s3], [sflag:$0x5], $0x4000, $0x38;
	[tilespmem:$0x1C100] =	vst v63  }
0x31: {  	_ =	swait.ge [sflag:s24], $0x4000  }
0x32: {  	[sflag:s24] =	ssyncset.done $0x0  }
0x33: {  	[sflag:s24] =	ssyncadd.s32 $0xFFFFC000  }
0x34: {  	[spmem:s21] =	stream.linear.scatter [tilespmem:s3], [sflag:$0x5], $0x4000, $0x38;
	[tilespmem:$0x1C100] =	vst v63  }
0x35: {  	_ =	swait.ge [sflag:s24], $0x4000  }
0x36: {  	[sflag:s24] =	ssyncset.done $0x0  }
0x37: {  	s5 =	rddreg [dreg:$0x4];
	[sflag:s24] =	ssyncadd.s32 $0xFFFFC000  }
0x38: {  	[tilespmem:s25], [sflag:$0x3] =	stream.linear.gather [hbm4b:s5+s3], $0x80, $0x38;
	[tilespmem:$0x1C100] =	vst v63  }
0x39: {  	s8 =	rddreg [dreg:$0x5]  }
0x3a: {  	[tilespmem:s3], [sflag:$0x1] =	stream.linear.gather [hbm4b:s8+s3], $0x4000, $0x38;
	[tilespmem:$0x1C100] =	vst v63  }
0x3b: {  	_ = 	snop  }
0x3c: {  	[tilespmem:s26], [sflag:$0x4] =	stream.linear.gather [hbm4b:s13+s3], $0x80, $0x38;
	[tilespmem:$0x1C100] =	vst v63  }
0x3d: {  	s6 =	rddreg [dreg:$0x6]  }
0x3e: {  	[tilespmem:s28], [sflag:$0x2] =	stream.linear.gather [hbm4b:s6+s3], $0x4000, $0x38;
	[tilespmem:$0x1C100] =	vst v63  }
0x3f: {  	[bflag:$0x0] =	sbarrier.arrive $0xFFFF  }
0x40: {  	_ =	swait.ge [sflag:s29], $0x80  }
0x41: {  	[sflag:s29] =	ssyncset.done $0x0  }
0x42: {  	[sflag:s29] =	ssyncadd.s32 $0xFFFFFF80  }
0x43: {  	_ =	swait.ge [sflag:s30], $0x4000  }
0x44: {  	[sflag:s30] =	ssyncset.done $0x0  }
0x45: {  	[sflag:s30] =	ssyncadd.s32 $0xFFFFC000  }
0x46: {  	[spmem:s1] =	stream.indirect.scatter.add.f32 [tilespmem:s3], [sflag:$0x5], $0x80, s25, s31, $0xb8;
	[tilespmem:$0x1C100] =	vst v63  }
0x47: {  	_ =	swait.ge [sflag:s24], $0x4000  }
0x48: {  	[sflag:s24] =	ssyncset.done $0x0  }
0x49: {  	s6 =	sadd.s32 $0x0, s14;
	[sflag:s24] =	ssyncadd.s32 $0xFFFFC000  }
0x4a: {  	[tilespmem:s25], [sflag:$0x3] =	stream.linear.gather [hbm4b:s23+s3], $0x80, $0x38;
	[tilespmem:$0x1C100] =	vst v63  }
0x4b: {  	s7 =	sadd.s32 $0x20000, s6  }
0x4c: {  	[tilespmem:s3], [sflag:$0x1] =	stream.linear.gather [hbm4b:s7+s3], $0x4000, $0x38;
	[tilespmem:$0x1C100] =	vst v63  }
0x4d: {  	_ =	swait.ge [sflag:s0], $0x80  }
0x4e: {  	[sflag:s0] =	ssyncset.done $0x0  }
0x4f: {  	[sflag:s0] =	ssyncadd.s32 $0xFFFFFF80  }
0x50: {  	_ =	swait.ge [sflag:s2], $0x4000  }
0x51: {  	[sflag:s2] =	ssyncset.done $0x0  }
0x52: {  	[sflag:s2] =	ssyncadd.s32 $0xFFFFC000  }
0x53: {  	[spmem:s1] =	stream.indirect.scatter.add.f32 [tilespmem:s28], [sflag:$0x5], $0x80, s26, s31, $0xb8;
	[tilespmem:$0x1C100] =	vst v63  }
0x54: {  	_ =	swait.ge [sflag:s24], $0x4000  }
0x55: {  	s5 =	simm.s32 $0x20000;
	s8 =	sadd.s32 $0x200, s23;
	[sflag:s24] =	ssyncset.done $0x0  }
0x56: {  	s7 =	sadd.s32 $0x30000, s6;
	s6 =	sadd.s32 $0x400, s23;
	[sflag:s24] =	ssyncadd.s32 $0xFFFFC000  }
0x57: {  	[tilespmem:s26], [sflag:$0x4] =	stream.linear.gather [hbm4b:s8+s3], $0x80, $0x38;
	[tilespmem:$0x1C100] =	vst v63  }
.LBB2_2:
0x58: {  	[tilespmem:s28], [sflag:$0x2] =	stream.linear.gather [hbm4b:s7+s3], $0x4000, $0x38;
	[tilespmem:$0x1C100] =	vst v63  }
0x59: {  	s7 =	smov.u32 s5  }
0x5a: {  	p2 =	sne.s32 s5, $0x4A0000;
	s5 =	sadd.s32 $0x20000, s5;
	_ =	swait.ge [sflag:s29], $0x80  }
0x5b: {  	[sflag:s29] =	ssyncset.done $0x0  }
0x5c: {  	[sflag:s29] =	ssyncadd.s32 $0xFFFFFF80  }
0x5d: {  	_ =	swait.ge [sflag:s30], $0x4000  }
0x5e: {  	[sflag:s30] =	ssyncset.done $0x0  }
0x5f: {  	[sflag:s30] =	ssyncadd.s32 $0xFFFFC000  }
0x60: {  	[spmem:s1] =	stream.indirect.scatter.add.f32 [tilespmem:s3], [sflag:$0x5], $0x80, s25, s31, $0xb8;
	[tilespmem:$0x1C100] =	vst v63  }
0x61: {  	_ =	swait.ge [sflag:s24], $0x4000  }
0x62: {  	[sflag:s24] =	ssyncset.done $0x0  }
0x63: {  	s7 =	sadd.s32 s7, s14;
	[sflag:s24] =	ssyncadd.s32 $0xFFFFC000  }
0x64: {  	[tilespmem:s25], [sflag:$0x3] =	stream.linear.gather [hbm4b:s6+s3], $0x80, $0x38;
	[tilespmem:$0x1C100] =	vst v63  }
0x65: {  	s8 =	sadd.s32 $0x20000, s7  }
0x66: {  	[tilespmem:s3], [sflag:$0x1] =	stream.linear.gather [hbm4b:s8+s3], $0x4000, $0x38;
	[tilespmem:$0x1C100] =	vst v63  }
0x67: {  	_ =	swait.ge [sflag:s0], $0x80  }
0x68: {  	[sflag:s0] =	ssyncset.done $0x0  }
0x69: {  	[sflag:s0] =	ssyncadd.s32 $0xFFFFFF80  }
0x6a: {  	_ =	swait.ge [sflag:s2], $0x4000  }
0x6b: {  	[sflag:s2] =	ssyncset.done $0x0  }
0x6c: {  	[sflag:s2] =	ssyncadd.s32 $0xFFFFC000  }
0x6d: {  	[spmem:s1] =	stream.indirect.scatter.add.f32 [tilespmem:s28], [sflag:$0x5], $0x80, s26, s31, $0xb8;
	[tilespmem:$0x1C100] =	vst v63  }
.Ltmp0:
0x6e: {  	_ =	swait.ge [sflag:s24], $0x4000;
	(pc) =	sbr.rel @p2 .LBB2_2-.Ltmp0, $4  }
0x6f: {  	[sflag:s24] =	ssyncset.done $0x0  }
0x70: {  	s8 =	sadd.s32 $0x200, s6;
	[sflag:s24] =	ssyncadd.s32 $0xFFFFC000  }
0x71: {  	[tilespmem:s26], [sflag:$0x4] =	stream.linear.gather [hbm4b:s8+s3], $0x80, $0x38;
	[tilespmem:$0x1C100] =	vst v63  }
0x72: {  	s7 =	sadd.s32 $0x30000, s7;
	s6 =	sadd.s32 $0x400, s6  }
0x73: {  	[tilespmem:s28], [sflag:$0x2] =	stream.linear.gather [hbm4b:s7+s3], $0x4000, $0x38;
	[tilespmem:$0x1C100] =	vst v63  }
0x74: {  	_ =	swait.ge [sflag:s29], $0x80  }
0x75: {  	[sflag:s29] =	ssyncset.done $0x0  }
0x76: {  	[sflag:s29] =	ssyncadd.s32 $0xFFFFFF80  }
0x77: {  	_ =	swait.ge [sflag:s30], $0x4000  }
0x78: {  	[sflag:s30] =	ssyncset.done $0x0  }
0x79: {  	[sflag:s30] =	ssyncadd.s32 $0xFFFFC000  }
0x7a: {  	[spmem:s1] =	stream.indirect.scatter.add.f32 [tilespmem:s3], [sflag:$0x5], $0x80, s25, s31, $0xb8;
	[tilespmem:$0x1C100] =	vst v63  }
0x7b: {  	_ =	swait.ge [sflag:s24], $0x4000  }
0x7c: {  	[sflag:s24] =	ssyncset.done $0x0  }
0x7d: {  	s5 =	simm.s32 @!p0 $0x0;
	s6 =	simm.s32 @!p0 $0x8000;
	[sflag:s24] =	ssyncadd.s32 $0xFFFFC000  }
0x7e: {  	[tilespmem:s6], [sflag:$0x3] =	stream.linear.gather @!p0 [hbm4b:s15+s5], $0x80, $0x38;
	[tilespmem:$0x1C100] =	vst v63  }
0x7f: {  	_ = 	snop  }
0x80: {  	[tilespmem:s5], [sflag:$0x1] =	stream.linear.gather @!p0 [hbm4b:s12+s5], $0x4000, $0x38;
	[tilespmem:$0x1C100] =	vst v63  }
0x81: {  	_ =	swait.ge [sflag:s0], $0x80  }
0x82: {  	[sflag:s0] =	ssyncset.done $0x0  }
0x83: {  	[sflag:s0] =	ssyncadd.s32 $0xFFFFFF80  }
0x84: {  	_ =	swait.ge [sflag:s2], $0x4000  }
0x85: {  	[sflag:s2] =	ssyncset.done $0x0  }
0x86: {  	[sflag:s2] =	ssyncadd.s32 $0xFFFFC000  }
0x87: {  	[spmem:s1] =	stream.indirect.scatter.add.f32 [tilespmem:s28], [sflag:$0x5], $0x80, s26, s31, $0xb8;
	[tilespmem:$0x1C100] =	vst v63  }
0x88: {  	_ =	swait.ge [sflag:s24], $0x4000  }
0x89: {  	[sflag:s24] =	ssyncset.done $0x0  }
0x8a: {  	s5 =	simm.s32 @!p1 $0x3;
	[sflag:s24] =	ssyncadd.s32 $0xFFFFC000  }
0x8b: {  	_ =	swait.ge @!p1 [sflag:s5], $0x80  }
0x8c: {  	[sflag:s5] =	ssyncset.done @!p1 $0x0  }
0x8d: {  	[sflag:s5] =	ssyncadd.s32 @!p1 $0xFFFFFF80;
	s5 =	simm.s32 @!p1 $0x1  }
0x8e: {  	_ =	swait.ge @!p1 [sflag:s5], $0x4000  }
0x8f: {  	s7 =	simm.s32 @!p1 $0x0;
	[sflag:s5] =	ssyncset.done @!p1 $0x0  }
0x90: {  	s6 =	simm.s32 @!p1 $0x8000;
	[sflag:s5] =	ssyncadd.s32 @!p1 $0xFFFFC000;
	s5 =	simm.s32 @!p1 $0x80  }
0x91: {  	[spmem:s1] =	stream.indirect.scatter.add.f32 @!p1 [tilespmem:s7], [sflag:$0x5], $0x80, s6, s5, $0xb8;
	[tilespmem:$0x1C100] =	vst v63  }
0x92: {  	s5 =	simm.s32 @!p1 $0x5  }
0x93: {  	_ =	swait.ge @!p1 [sflag:s5], $0x4000  }
0x94: {  	[sflag:s5] =	ssyncset.done @!p1 $0x0  }
0x95: {  	[sflag:s5] =	ssyncadd.s32 @!p1 $0xFFFFC000  }
0x96: {  	[bflag:$0x0] =	sbarrier.arrive $0xFFFF  }
0x97: {  	[tilespmem:s3], [sflag:$0x5] =	stream.linear.gather [spmem:s17], $0x4000, $0x38;
	[tilespmem:$0x1C100] =	vst v63  }
0x98: {  	_ =	swait.ge [sflag:s24], $0x4000  }
0x99: {  	[sflag:s24] =	ssyncset.done $0x0  }
0x9a: {  	s7 =	rddreg [dreg:$0x7];
	[sflag:s24] =	ssyncadd.s32 $0xFFFFC000  }
0x9b: {  	[hbm4b:s7+s3] =	stream.linear.scatter [tilespmem:s3], [sflag:$0x5], $0x4000, $0x38;
	[tilespmem:$0x1C100] =	vst v63  }
0x9c: {  	_ =	swait.ge [sflag:s24], $0x4000  }
0x9d: {  	[sflag:s24] =	ssyncset.done $0x0  }
0x9e: {  	[sflag:s24] =	ssyncadd.s32 $0xFFFFC000  }
0x9f: {  	[tilespmem:s3], [sflag:$0x5] =	stream.linear.gather [spmem:s18], $0x4000, $0x38;
	[tilespmem:$0x1C100] =	vst v63  }
0xa0: {  	_ =	swait.ge [sflag:s24], $0x4000  }
0xa1: {  	[sflag:s24] =	ssyncset.done $0x0  }
0xa2: {  	s8 =	rddreg [dreg:$0x8];
	[sflag:s24] =	ssyncadd.s32 $0xFFFFC000  }
0xa3: {  	[hbm4b:s8+s3] =	stream.linear.scatter [tilespmem:s3], [sflag:$0x5], $0x4000, $0x38;
	[tilespmem:$0x1C100] =	vst v63  }
0xa4: {  	_ =	swait.ge [sflag:s24], $0x4000  }
0xa5: {  	[sflag:s24] =	ssyncset.done $0x0  }
0xa6: {  	[sflag:s24] =	ssyncadd.s32 $0xFFFFC000  }
0xa7: {  	[tilespmem:s3], [sflag:$0x5] =	stream.linear.gather [spmem:s19], $0x4000, $0x38;
	[tilespmem:$0x1C100] =	vst v63  }
0xa8: {  	_ =	swait.ge [sflag:s24], $0x4000  }
0xa9: {  	[sflag:s24] =	ssyncset.done $0x0  }
0xaa: {  	[sflag:s24] =	ssyncadd.s32 $0xFFFFC000  }
0xab: {  	[hbm4b:s9+s3] =	stream.linear.scatter [tilespmem:s3], [sflag:$0x5], $0x4000, $0x38;
	[tilespmem:$0x1C100] =	vst v63  }
0xac: {  	_ =	swait.ge [sflag:s24], $0x4000  }
0xad: {  	[sflag:s24] =	ssyncset.done $0x0  }
0xae: {  	[sflag:s24] =	ssyncadd.s32 $0xFFFFC000  }
0xaf: {  	[tilespmem:s3], [sflag:$0x5] =	stream.linear.gather [spmem:s20], $0x4000, $0x38;
	[tilespmem:$0x1C100] =	vst v63  }
0xb0: {  	_ =	swait.ge [sflag:s24], $0x4000  }
0xb1: {  	[sflag:s24] =	ssyncset.done $0x0  }
0xb2: {  	[sflag:s24] =	ssyncadd.s32 $0xFFFFC000  }
0xb3: {  	[hbm4b:s10+s3] =	stream.linear.scatter [tilespmem:s3], [sflag:$0x5], $0x4000, $0x38;
	[tilespmem:$0x1C100] =	vst v63  }
0xb4: {  	_ =	swait.ge [sflag:s24], $0x4000  }
0xb5: {  	[sflag:s24] =	ssyncset.done $0x0  }
0xb6: {  	[sflag:s24] =	ssyncadd.s32 $0xFFFFC000  }
0xb7: {  	[tilespmem:s3], [sflag:$0x5] =	stream.linear.gather [spmem:s21], $0x4000, $0x38;
	[tilespmem:$0x1C100] =	vst v63  }
0xb8: {  	s4 =	sadd.s32 $0x1, s4;
	_ =	swait.ge [sflag:s24], $0x4000  }
0xb9: {  	p2 =	sne.s32 s4, s22;
	[sflag:s24] =	ssyncset.done $0x0  }
.Ltmp1:
0xba: {  	[sflag:s24] =	ssyncadd.s32 $0xFFFFC000;
	(pc) =	sbr.rel @p2 .LBB2_1-.Ltmp1, $4  }
0xbb: {  	[hbm4b:s11+s3] =	stream.linear.scatter [tilespmem:s3], [sflag:$0x5], $0x4000, $0x38;
	[tilespmem:$0x1C100] =	vst v63  }
0xbc: {  	_ =	swait.ge [sflag:s24], $0x4000  }
0xbd: {  	[sflag:s24] =	ssyncset.done $0x0  }
0xbe: {  	[sflag:s24] =	ssyncadd.s32 $0xFFFFC000  }
0xbf: {  	_ =	sfence.sel $0x180000  }
0xc0: {  	[bflag:$0x0] =	sbarrier.arrive $0xFFFF  }
0xc1: {  	_ =	strace $0x90000047  }
0xc2: {  	s0 =	stileid.u32;
	[bflag:$0x2] =	sbarrier.arrive $0xFFFF  }
0xc3: {  	p0 =	sne.s32 s0, $0x0;
	s0 =	rddreg [dreg:$0x3]  }
0xc4: {  	s0 =	sadd.s32 @!p0 $0x100000, s0  }
0xc5: {  	[sflag:s0] =	ssyncadd.tile.s32 @!p0 $0x1;
	_ =	shalt  }
.Lfunc_end2:
_tile_overlayer_lowered:
.L_overlay_start_2:
0xc6: {  	(tag) =	ssettag $0x2  }
0xc7: {  	s0 =	rddreg [dreg:$0x0];
	s2 =	stileid.u32  }
0xc8: {  	s1 =	rddreg [dreg:$0x1];
	p0 =	sne.s32 s2, $0x0  }
0xc9: {  	s3 =	rddreg [dreg:$0x2];
	[bflag:$0x3] =	sbarrier.arrive $0xFFFF;
	s2 =	simm.s32 @!p0 $0x1C05  }
0xca: {  	[timem:s3], [sflag:s2] =	dma.local @!p0 [hbm:s0], s1  }
0xcb: {  	s0 =	simm.s32 @!p0 $0x5  }
0xcc: {  	_ =	swait.ge @!p0 [sflag:s0], s1  }
0xcd: {  	s1 =	ssub.s32 @!p0 $0x0, s1;
	[sflag:s0] =	ssyncset.done @!p0 $0x0  }
0xce: {  	[sflag:s0] =	ssyncadd.s32 @!p0 s1  }
0xcf: {  	[bflag:$0x3] =	sbarrier.arrive $0xFFFF  }
0xd0: {  	_ =	shalt  }

</sc_bundles>
